<compile_context>
chip_gen: v7x
topology: tpu7x:2x2x1
jax: 0.10.2.dev20260603
libtpu: 0.0.44.dev20260713+nightly
codegen_flags: <defaults>
</compile_context>

<pallas_src>
import jax
import jax.numpy as jnp
from jax import lax
from jax.experimental import pallas as pl
from jax.experimental.pallas import tpu as pltpu
from jax.experimental.pallas import tpu_sc as plsc

N = 10000
E = 320000
D = 128
NC = 2
NS = 16
NW = NC * NS
L = 16
CHUNK = 128
EPT = -(-E // (NW * 2 * CHUNK)) * 2 * CHUNK
E_PAD = EPT * NW
NCH = EPT // CHUNK
N_PAD = 10112
NACC = 10240
INIT_ROWS = NACC // NS
OUT_ROWS = N_PAD // NS
BLK = 1264


def _mesh():
  return plsc.VectorSubcoreMesh(
      core_axis_name="c", subcore_axis_name="s", num_cores=NC, num_subcores=NS)


def _deg(dst3, z128, ones128):

  def body(dst3, z128, ones128, out, acc, dst_v, ones_v, sem):
    c = lax.axis_index("c")
    s = lax.axis_index("s")
    wid = s * NC + c
    r0 = s * INIT_ROWS
    pltpu.sync_copy(z128.at[pl.ds(r0, INIT_ROWS)], acc.at[pl.ds(r0, INIT_ROWS)])
    pltpu.sync_copy(ones128, ones_v)
    pltpu.sync_copy(dst3.at[wid], dst_v)
    plsc.subcore_barrier()

    def step(g, carry):
      pltpu.sync_copy(ones_v, acc.at[dst_v.at[g]], add=True)
      return carry

    lax.fori_loop(0, NCH, step, 0)
    plsc.subcore_barrier()
    o0 = s * OUT_ROWS
    pltpu.sync_copy(acc.at[pl.ds(o0, OUT_ROWS)], out.at[c, pl.ds(o0, OUT_ROWS)])

  return pl.kernel(
      body,
      out_type=jax.ShapeDtypeStruct((NC, N_PAD, D), jnp.float32),
      mesh=_mesh(),
      scratch_types=[
          pltpu.VMEM_SHARED((NACC, D), jnp.float32),
          pltpu.VMEM((NCH, CHUNK), jnp.int32),
          pltpu.VMEM((CHUNK, D), jnp.float32),
          pltpu.SemaphoreType.DMA,
      ],
  )(dst3, z128, ones128)


def _agg(table, src3, dst3, z128):

  def body(table, src3, dst3, z128, out, acc, src2, dst_v, rows0, rows1,
           sem0, sem1):
    c = lax.axis_index("c")
    s = lax.axis_index("s")
    wid = s * NC + c
    r0 = s * INIT_ROWS
    pltpu.sync_copy(z128.at[pl.ds(r0, INIT_ROWS)], acc.at[pl.ds(r0, INIT_ROWS)])
    pltpu.sync_copy(dst3.at[wid], dst_v)
    plsc.subcore_barrier()

    rows = (rows0, rows1)
    sem = (sem0, sem1)
    pltpu.sync_copy(src3.at[wid, 0], src2.at[0])
    pltpu.make_async_copy(table.at[src2.at[0]], rows[0], sem[0]).start()

    def outer(g2, carry):
      for b in range(2):
        g = g2 * 2 + b
        nb = 1 - b

        @pl.when(g + 1 < NCH)
        def _load_next_idx():
          pltpu.sync_copy(src3.at[wid, g + 1], src2.at[nb])

        pltpu.make_async_copy(table.at[src2.at[b]], rows[b], sem[b]).wait()

        @pl.when(g + 1 < NCH)
        def _prefire():
          pltpu.make_async_copy(table.at[src2.at[nb]], rows[nb], sem[nb]).start()

        pltpu.sync_copy(rows[b], acc.at[dst_v.at[g]], add=True)
      return carry

    lax.fori_loop(0, NCH // 2, outer, 0)
    plsc.subcore_barrier()
    o0 = s * OUT_ROWS
    pltpu.sync_copy(acc.at[pl.ds(o0, OUT_ROWS)], out.at[c, pl.ds(o0, OUT_ROWS)])

  return pl.kernel(
      body,
      out_type=jax.ShapeDtypeStruct((NC, N_PAD, D), jnp.float32),
      mesh=_mesh(),
      scratch_types=[
          pltpu.VMEM_SHARED((NACC, D), jnp.float32),
          pltpu.VMEM((2, CHUNK), jnp.int32),
          pltpu.VMEM((NCH, CHUNK), jnp.int32),
          pltpu.VMEM((CHUNK, D), jnp.float32),
          pltpu.VMEM((CHUNK, D), jnp.float32),
          pltpu.SemaphoreType.DMA,
          pltpu.SemaphoreType.DMA,
      ],
  )(table, src3, dst3, z128)


def _tc_layer1(x, na, nb, da, db, Ws, Wn, bs, bn):
  def body(x_r, na_r, nb_r, da_r, db_r, ws_r, wn_r, b_r, out_r):
    deg = da_r[:, 0:1] + db_r[:, 0:1]
    inv = 1.0 / jnp.maximum(deg, 1.0)
    neigh = (na_r[...] + nb_r[...]) * inv
    h = (jnp.dot(x_r[...], ws_r[...], preferred_element_type=jnp.float32)
         + jnp.dot(neigh, wn_r[...], preferred_element_type=jnp.float32)
         + b_r[...])
    out_r[...] = jnp.maximum(h, 0.0)

  row = lambda i: (i, 0)
  fix = lambda i: (0, 0)
  return pl.pallas_call(
      body,
      grid=(N_PAD // BLK,),
      in_specs=[
          pl.BlockSpec((BLK, D), row),
          pl.BlockSpec((BLK, D), row),
          pl.BlockSpec((BLK, D), row),
          pl.BlockSpec((BLK, D), row),
          pl.BlockSpec((BLK, D), row),
          pl.BlockSpec((D, D), fix),
          pl.BlockSpec((D, D), fix),
          pl.BlockSpec((1, D), fix),
      ],
      out_specs=pl.BlockSpec((BLK, D), row),
      out_shape=jax.ShapeDtypeStruct((N_PAD, D), jnp.float32),
  )(x, na, nb, da, db, Ws, Wn, (bs + bn).reshape(1, D))


def _tc_layer2(h1, na, nb, da, db, Ws, Wn, bs, bn, Wpc, bvec):
  def body(h_r, na_r, nb_r, da_r, db_r, ws_r, wn_r, b_r, wp_r, bv_r, out_r):
    deg = da_r[:, 0:1] + db_r[:, 0:1]
    inv = 1.0 / jnp.maximum(deg, 1.0)
    neigh = (na_r[...] + nb_r[...]) * inv
    h2 = (jnp.dot(h_r[...], ws_r[...], preferred_element_type=jnp.float32)
          + jnp.dot(neigh, wn_r[...], preferred_element_type=jnp.float32)
          + b_r[...])
    out_r[...] = jnp.dot(h2, wp_r[...], preferred_element_type=jnp.float32) + bv_r[...]

  row = lambda i: (i, 0)
  fix = lambda i: (0, 0)
  return pl.pallas_call(
      body,
      grid=(N_PAD // BLK,),
      in_specs=[
          pl.BlockSpec((BLK, D), row),
          pl.BlockSpec((BLK, D), row),
          pl.BlockSpec((BLK, D), row),
          pl.BlockSpec((BLK, D), row),
          pl.BlockSpec((BLK, D), row),
          pl.BlockSpec((D, D), fix),
          pl.BlockSpec((D, D), fix),
          pl.BlockSpec((1, D), fix),
          pl.BlockSpec((D, 2), fix),
          pl.BlockSpec((1, 2), fix),
      ],
      out_specs=pl.BlockSpec((BLK, 2), row),
      out_shape=jax.ShapeDtypeStruct((N_PAD, 2), jnp.float32),
  )(h1, na, nb, da, db, Ws, Wn, (bs + bn).reshape(1, D), Wpc, bvec)


def _edge_score(ab, srcb, dstb):

  def body(ab, srcb, dstb, out, ab_v, src_v, dst_v, out_v):
    c = lax.axis_index("c")
    s = lax.axis_index("s")
    wid = s * NC + c
    base = wid * EPT
    pltpu.sync_copy(ab, ab_v)
    pltpu.sync_copy(srcb.at[pl.ds(base, EPT)], src_v)
    pltpu.sync_copy(dstb.at[pl.ds(base, EPT)], dst_v)

    def step(i, carry):
      si = src_v[pl.ds(i * L, L)]
      di = dst_v[pl.ds(i * L, L)]
      av = plsc.load_gather(ab_v, [si * 2])
      bv = plsc.load_gather(ab_v, [di * 2 + 1])
      out_v[pl.ds(i * L, L)] = av + bv
      return carry

    lax.fori_loop(0, EPT // L, step, 0)
    pltpu.sync_copy(out_v, out.at[pl.ds(base, EPT)])

  return pl.kernel(
      body,
      out_type=jax.ShapeDtypeStruct((E_PAD,), jnp.float32),
      mesh=_mesh(),
      compiler_params=pltpu.CompilerParams(needs_layout_passes=False),
      scratch_types=[
          pltpu.VMEM((N_PAD * 2,), jnp.float32),
          pltpu.VMEM((EPT,), jnp.int32),
          pltpu.VMEM((EPT,), jnp.int32),
          pltpu.VMEM((EPT,), jnp.float32),
      ],
  )(ab, srcb, dstb)


def kernel(x, edge_index, W1s, b1s, W1n, b1n, W2s, b2s, W2n, b2n, Wp, bp):
  src = edge_index[0]
  dst = edge_index[1]
  pad = E_PAD - E
  pad_i = jnp.arange(pad, dtype=jnp.int32)
  srcb = jnp.concatenate([src, pad_i % N])
  dstb = jnp.concatenate([dst, N + pad_i % (NACC - N)])
  z128 = jnp.zeros((NACC, D), jnp.float32)
  ones128 = jnp.ones((CHUNK, D), jnp.float32)

  x_pad = jnp.concatenate([x, jnp.zeros((N_PAD - N, D), jnp.float32)])
  src3 = srcb.reshape(NW, NCH, CHUNK)
  dst3 = dstb.reshape(NW, NCH, CHUNK)
  degp = _deg(dst3, z128, ones128)
  n1p = _agg(x, src3, dst3, z128)
  h1 = _tc_layer1(x_pad, n1p[0], n1p[1], degp[0], degp[1], W1s, W1n, b1s, b1n)
  n2p = _agg(h1, src3, dst3, z128)
  Wpc = jnp.concatenate([Wp[:D], Wp[D:]], axis=1)
  bvec = jnp.concatenate([jnp.zeros((1,), jnp.float32), bp]).reshape(1, 2)
  ab = _tc_layer2(h1, n2p[0], n2p[1], degp[0], degp[1], W2s, W2n, b2s, b2n,
                  Wpc, bvec)
  score = _edge_score(ab.reshape(N_PAD * 2), srcb, dstb)
  return score[:E].reshape(E, 1)

# --- scband reference (transcript-rebuilt; emitter-appended) ---
"""Pipeline reference for scband-sagemodel-34797825032691 (READ-ONLY COPY).

The authoritative reference and input builder live on the scoring server;
editing this copy changes nothing except your own understanding.
"""

import jax, jax.numpy as jnp
import numpy as np

N = 10000
E = 320000
D_IN = 128
D_HID = 128
D_OUT = 128
C = 1


def setup_inputs(seed: int = 0) -> dict:
    key = jax.random.key(seed)
    ks = jax.random.split(key, 12)
    x = jax.random.normal(ks[0], (N, D_IN), dtype=jnp.float32)
    edge_index = jax.random.randint(ks[1], (2, E), 0, N, dtype=jnp.int32)
    s1 = 1.0 / np.sqrt(D_IN)
    s2 = 1.0 / np.sqrt(D_HID)
    sp = 1.0 / np.sqrt(2 * D_OUT)
    W1s = jax.random.uniform(ks[2], (D_IN, D_HID), jnp.float32, -s1, s1)
    b1s = jax.random.uniform(ks[3], (D_HID,), jnp.float32, -s1, s1)
    W1n = jax.random.uniform(ks[4], (D_IN, D_HID), jnp.float32, -s1, s1)
    b1n = jax.random.uniform(ks[5], (D_HID,), jnp.float32, -s1, s1)
    W2s = jax.random.uniform(ks[6], (D_HID, D_OUT), jnp.float32, -s2, s2)
    b2s = jax.random.uniform(ks[7], (D_OUT,), jnp.float32, -s2, s2)
    W2n = jax.random.uniform(ks[8], (D_HID, D_OUT), jnp.float32, -s2, s2)
    b2n = jax.random.uniform(ks[9], (D_OUT,), jnp.float32, -s2, s2)
    Wp = jax.random.uniform(ks[10], (2 * D_OUT, C), jnp.float32, -sp, sp)
    bp = jax.random.uniform(ks[11], (C,), jnp.float32, -sp, sp)
    return {"x": x, "edge_index": edge_index, "W1s": W1s, "b1s": b1s,
            "W1n": W1n, "b1n": b1n, "W2s": W2s, "b2s": b2s,
            "W2n": W2n, "b2n": b2n, "Wp": Wp, "bp": bp}


def reference(x, edge_index, W1s, b1s, W1n, b1n, W2s, b2s, W2n, b2n, Wp, bp):
    src = edge_index[0]
    dst = edge_index[1]

    def sage_conv(h, Ws, bs, Wn, bn):
        # mean aggregation over incoming edges (DGL SAGEConv 'mean')
        msg = jnp.take(h, src, axis=0)
        agg = jax.ops.segment_sum(msg, dst, num_segments=N)
        deg = jax.ops.segment_sum(jnp.ones((E, 1), h.dtype), dst, num_segments=N)
        h_neigh = agg / jnp.clip(deg, 1.0)
        return h @ Ws + bs + h_neigh @ Wn + bn

    h = jax.nn.relu(sage_conv(x, W1s, b1s, W1n, b1n))
    h = sage_conv(h, W2s, b2s, W2n, b2n)
    # MLPPredictor.apply_edges: score = W([h_src ; h_dst])
    h_u = jnp.take(h, src, axis=0)
    h_v = jnp.take(h, dst, axis=0)
    score = jnp.concatenate([h_u, h_v], axis=1) @ Wp + bp
    return score

if __name__ == "__main__":
    import jax
    _d = setup_inputs()
    print(jax.jit(kernel)(*tuple(_d.values())))

</pallas_src>

<mosaic_0001>
#map = affine_map<(d0, d1) -> (0, 0)>
#map1 = affine_map<(d0, d1) -> (0, 0, 0)>
module attributes {stable_mosaic.version = 14 : i64} {
  func.func @body(%arg0: i32, %arg1: i32, %arg2: memref<10000x128xf32, #tpu.memory_space<hbm>>, %arg3: memref<32x80x128xi32, #tpu.memory_space<hbm>>, %arg4: memref<32x80x128xi32, #tpu.memory_space<hbm>>, %arg5: memref<10240x128xf32, #tpu.memory_space<hbm>>, %arg6: memref<2x10112x128xf32, #tpu.memory_space<hbm>>, %arg7: memref<10240x128xf32, #tpu.memory_space<vmem_shared>>, %arg8: memref<2x128xi32, #tpu.memory_space<vmem>>, %arg9: memref<80x128xi32, #tpu.memory_space<vmem>>, %arg10: memref<128x128xf32, #tpu.memory_space<vmem>>, %arg11: memref<128x128xf32, #tpu.memory_space<vmem>>, %arg12: memref<!tpu.dma_semaphore, #tpu.memory_space<semaphore_mem>>, %arg13: memref<!tpu.dma_semaphore, #tpu.memory_space<semaphore_mem>>) attributes {dimension_semantics = [#tpu.dimension_semantics<core_parallel>, #tpu.dimension_semantics<subcore_parallel>], iteration_bounds = array<i64: 2, 16>, scalar_prefetch = 0 : i64, scratch_operands = 7 : i64, tpu.core_type = #tpu.core_type<sc_vector_subcore>, window_params = [{transform_indices = #map}, {transform_indices = #map1}, {transform_indices = #map1}, {transform_indices = #map}, {transform_indices = #map1}]} {
    %mul3A = arith.constant 2 : i32
    %mul3A_0 = arith.muli %arg1, %mul3A : i32
    %add3A = arith.addi %mul3A_0, %arg0 : i32
    %mul3A_1 = arith.constant 640 : i32
    %mul3A_2 = arith.muli %arg1, %mul3A_1 : i32
    "tpu.region"() ({
      %run_scoped3A_18 = tpu.sem_alloc : memref<!tpu.dma_semaphore, #tpu.memory_space<semaphore_mem>>
      %dma_start3A_19 = arith.constant 0 : i32
      %dma_start3A_20 = tpu.memref_slice %arg7[%mul3A_2, %dma_start3A_19] : memref<10240x128xf32, #tpu.memory_space<vmem_shared>> -> memref<640x128xf32, #tpu.memory_space<vmem_shared>>
      %dma_start3A_21 = arith.constant 0 : i32
      %dma_start3A_22 = tpu.memref_slice %arg5[%mul3A_2, %dma_start3A_21] : memref<10240x128xf32, #tpu.memory_space<hbm>> -> memref<640x128xf32, #tpu.memory_space<hbm>>
      tpu.enqueue_dma source(%dma_start3A_22 : memref<640x128xf32, #tpu.memory_space<hbm>>) target(%dma_start3A_20 : memref<640x128xf32, #tpu.memory_space<vmem_shared>>) target_semaphore(%run_scoped3A_18 : memref<!tpu.dma_semaphore, #tpu.memory_space<semaphore_mem>>)
      %dma_wait3A = arith.constant 0 : i32
      %dma_wait3A_23 = tpu.memref_slice %arg7[%mul3A_2, %dma_wait3A] : memref<10240x128xf32, #tpu.memory_space<vmem_shared>> -> memref<640x128xf32, #tpu.memory_space<vmem_shared>>
      %dma_wait3A_24 = arith.constant 0 : i32
      %dma_wait3A_25 = tpu.memref_slice %arg5[%mul3A_2, %dma_wait3A_24] : memref<10240x128xf32, #tpu.memory_space<hbm>> -> memref<640x128xf32, #tpu.memory_space<hbm>>
      tpu.wait_dma2 semaphore(%run_scoped3A_18 : memref<!tpu.dma_semaphore, #tpu.memory_space<semaphore_mem>>) src(%dma_wait3A_25 : memref<640x128xf32, #tpu.memory_space<hbm>>) dst(%dma_wait3A_23 : memref<640x128xf32, #tpu.memory_space<vmem_shared>>)
      tpu.yield
    }) : () -> ()
    "tpu.region"() ({
      %run_scoped3A_18 = tpu.sem_alloc : memref<!tpu.dma_semaphore, #tpu.memory_space<semaphore_mem>>
      %dma_start3A_19 = arith.constant 0 : i32
      %dma_start3A_20 = arith.constant 0 : i32
      %dma_start3A_21 = tpu.memref_slice %arg4[%add3A, %dma_start3A_19, %dma_start3A_20] : memref<32x80x128xi32, #tpu.memory_space<hbm>> -> memref<1x80x128xi32, #tpu.memory_space<hbm>>
      %dma_start3A_22 = tpu.memref_squeeze %dma_start3A_21 : memref<1x80x128xi32, #tpu.memory_space<hbm>> -> memref<80x128xi32, #tpu.memory_space<hbm>>
      %dma_start3A_23 = arith.constant 0 : i32
      %dma_start3A_24 = arith.constant 0 : i32
      %dma_start3A_25 = tpu.memref_slice %arg4[%add3A, %dma_start3A_23, %dma_start3A_24] : memref<32x80x128xi32, #tpu.memory_space<hbm>> -> memref<1x80x128xi32, #tpu.memory_space<hbm>>
      %dma_start3A_26 = tpu.memref_squeeze %dma_start3A_25 : memref<1x80x128xi32, #tpu.memory_space<hbm>> -> memref<80x128xi32, #tpu.memory_space<hbm>>
      tpu.enqueue_dma source(%dma_start3A_26 : memref<80x128xi32, #tpu.memory_space<hbm>>) target(%arg9 : memref<80x128xi32, #tpu.memory_space<vmem>>) target_semaphore(%run_scoped3A_18 : memref<!tpu.dma_semaphore, #tpu.memory_space<semaphore_mem>>)
      %dma_wait3A = arith.constant 0 : i32
      %dma_wait3A_27 = arith.constant 0 : i32
      %dma_wait3A_28 = tpu.memref_slice %arg4[%add3A, %dma_wait3A, %dma_wait3A_27] : memref<32x80x128xi32, #tpu.memory_space<hbm>> -> memref<1x80x128xi32, #tpu.memory_space<hbm>>
      %dma_wait3A_29 = tpu.memref_squeeze %dma_wait3A_28 : memref<1x80x128xi32, #tpu.memory_space<hbm>> -> memref<80x128xi32, #tpu.memory_space<hbm>>
      %dma_wait3A_30 = arith.constant 0 : i32
      %dma_wait3A_31 = arith.constant 0 : i32
      %dma_wait3A_32 = tpu.memref_slice %arg4[%add3A, %dma_wait3A_30, %dma_wait3A_31] : memref<32x80x128xi32, #tpu.memory_space<hbm>> -> memref<1x80x128xi32, #tpu.memory_space<hbm>>
      %dma_wait3A_33 = tpu.memref_squeeze %dma_wait3A_32 : memref<1x80x128xi32, #tpu.memory_space<hbm>> -> memref<80x128xi32, #tpu.memory_space<hbm>>
      tpu.wait_dma2 semaphore(%run_scoped3A_18 : memref<!tpu.dma_semaphore, #tpu.memory_space<semaphore_mem>>) src(%dma_wait3A_33 : memref<80x128xi32, #tpu.memory_space<hbm>>) dst(%arg9 : memref<80x128xi32, #tpu.memory_space<vmem>>)
      tpu.yield
    }) : () -> ()
    %barrier3A = arith.constant 0 : index
    tpu.barrier barrier_id(%barrier3A)
    %run_scoped3A = arith.constant 0 : i32
    %run_scoped3A_3 = arith.constant 0 : i32
    "tpu.region"() ({
      %run_scoped3A_18 = tpu.sem_alloc : memref<!tpu.dma_semaphore, #tpu.memory_space<semaphore_mem>>
      %dma_start3A_19 = arith.constant 0 : i32
      %dma_start3A_20 = tpu.memref_slice %arg8[%run_scoped3A_3, %dma_start3A_19] : memref<2x128xi32, #tpu.memory_space<vmem>> -> memref<1x128xi32, #tpu.memory_space<vmem>>
      %dma_start3A_21 = tpu.memref_squeeze %dma_start3A_20 : memref<1x128xi32, #tpu.memory_space<vmem>> -> memref<128xi32, #tpu.memory_space<vmem>>
      %dma_start3A_22 = arith.constant 0 : i32
      %dma_start3A_23 = tpu.memref_slice %arg3[%add3A, %run_scoped3A, %dma_start3A_22] : memref<32x80x128xi32, #tpu.memory_space<hbm>> -> memref<1x1x128xi32, #tpu.memory_space<hbm>>
      %dma_start3A_24 = tpu.memref_squeeze %dma_start3A_23 : memref<1x1x128xi32, #tpu.memory_space<hbm>> -> memref<128xi32, #tpu.memory_space<hbm>>
      %dma_start3A_25 = arith.constant 0 : i32
      %dma_start3A_26 = tpu.memref_slice %arg8[%run_scoped3A_3, %dma_start3A_25] : memref<2x128xi32, #tpu.memory_space<vmem>> -> memref<1x128xi32, #tpu.memory_space<vmem>>
      %dma_start3A_27 = tpu.memref_squeeze %dma_start3A_26 : memref<1x128xi32, #tpu.memory_space<vmem>> -> memref<128xi32, #tpu.memory_space<vmem>>
      %dma_start3A_28 = arith.constant 0 : i32
      %dma_start3A_29 = tpu.memref_slice %arg3[%add3A, %run_scoped3A, %dma_start3A_28] : memref<32x80x128xi32, #tpu.memory_space<hbm>> -> memref<1x1x128xi32, #tpu.memory_space<hbm>>
      %dma_start3A_30 = tpu.memref_squeeze %dma_start3A_29 : memref<1x1x128xi32, #tpu.memory_space<hbm>> -> memref<128xi32, #tpu.memory_space<hbm>>
      tpu.enqueue_dma source(%dma_start3A_30 : memref<128xi32, #tpu.memory_space<hbm>>) target(%dma_start3A_27 : memref<128xi32, #tpu.memory_space<vmem>>) target_semaphore(%run_scoped3A_18 : memref<!tpu.dma_semaphore, #tpu.memory_space<semaphore_mem>>)
      %dma_wait3A = arith.constant 0 : i32
      %dma_wait3A_31 = tpu.memref_slice %arg8[%run_scoped3A_3, %dma_wait3A] : memref<2x128xi32, #tpu.memory_space<vmem>> -> memref<1x128xi32, #tpu.memory_space<vmem>>
      %dma_wait3A_32 = tpu.memref_squeeze %dma_wait3A_31 : memref<1x128xi32, #tpu.memory_space<vmem>> -> memref<128xi32, #tpu.memory_space<vmem>>
      %dma_wait3A_33 = arith.constant 0 : i32
      %dma_wait3A_34 = tpu.memref_slice %arg3[%add3A, %run_scoped3A, %dma_wait3A_33] : memref<32x80x128xi32, #tpu.memory_space<hbm>> -> memref<1x1x128xi32, #tpu.memory_space<hbm>>
      %dma_wait3A_35 = tpu.memref_squeeze %dma_wait3A_34 : memref<1x1x128xi32, #tpu.memory_space<hbm>> -> memref<128xi32, #tpu.memory_space<hbm>>
      %dma_wait3A_36 = arith.constant 0 : i32
      %dma_wait3A_37 = tpu.memref_slice %arg8[%run_scoped3A_3, %dma_wait3A_36] : memref<2x128xi32, #tpu.memory_space<vmem>> -> memref<1x128xi32, #tpu.memory_space<vmem>>
      %dma_wait3A_38 = tpu.memref_squeeze %dma_wait3A_37 : memref<1x128xi32, #tpu.memory_space<vmem>> -> memref<128xi32, #tpu.memory_space<vmem>>
      %dma_wait3A_39 = arith.constant 0 : i32
      %dma_wait3A_40 = tpu.memref_slice %arg3[%add3A, %run_scoped3A, %dma_wait3A_39] : memref<32x80x128xi32, #tpu.memory_space<hbm>> -> memref<1x1x128xi32, #tpu.memory_space<hbm>>
      %dma_wait3A_41 = tpu.memref_squeeze %dma_wait3A_40 : memref<1x1x128xi32, #tpu.memory_space<hbm>> -> memref<128xi32, #tpu.memory_space<hbm>>
      tpu.wait_dma2 semaphore(%run_scoped3A_18 : memref<!tpu.dma_semaphore, #tpu.memory_space<semaphore_mem>>) src(%dma_wait3A_41 : memref<128xi32, #tpu.memory_space<hbm>>) dst(%dma_wait3A_38 : memref<128xi32, #tpu.memory_space<vmem>>)
      tpu.yield
    }) : () -> ()
    %dma_start3A = arith.constant 0 : i32
    %dma_start3A_4 = arith.constant 0 : i32
    %dma_start3A_5 = tpu.memref_slice %arg8[%dma_start3A, %dma_start3A_4] : memref<2x128xi32, #tpu.memory_space<vmem>> -> memref<1x128xi32, #tpu.memory_space<vmem>>
    %dma_start3A_6 = tpu.memref_squeeze %dma_start3A_5 : memref<1x128xi32, #tpu.memory_space<vmem>> -> memref<128xi32, #tpu.memory_space<vmem>>
    %dma_start3A_7 = arith.constant 0 : i32
    %dma_start3A_8 = arith.constant 0 : i32
    %dma_start3A_9 = tpu.memref_slice %arg2[%dma_start3A_7, %dma_start3A_8] : memref<10000x128xf32, #tpu.memory_space<hbm>> -> memref<10000x128xf32, #tpu.memory_space<hbm>>
    tpu.enqueue_indirect_dma source(%dma_start3A_9 : memref<10000x128xf32, #tpu.memory_space<hbm>>) target(%arg10 : memref<128x128xf32, #tpu.memory_space<vmem>>) offsets(%dma_start3A_6 : memref<128xi32, #tpu.memory_space<vmem>>) semaphore(%arg12 : memref<!tpu.dma_semaphore, #tpu.memory_space<semaphore_mem>>)
    %scan3A = arith.constant 0 : i32
    %scan3A_10 = arith.constant 0 : i32
    %scan3A_11 = arith.constant 40 : i32
    %scan3A_12 = arith.addi %scan3A_10, %scan3A_11 : i32
    %scan3A_13 = arith.constant 1 : i32
    scf.for %scan3A_18 = %scan3A_10 to %scan3A_12 step %scan3A_13  : i32 {
      %mul3A_19 = arith.constant 2 : i32
      %mul3A_20 = arith.muli %scan3A_18, %mul3A_19 : i32
      %add3A_21 = arith.constant 0 : i32
      %add3A_22 = arith.addi %mul3A_20, %add3A_21 : i32
      %add3A_23 = arith.constant 1 : i32
      %add3A_24 = arith.addi %add3A_22, %add3A_23 : i32
      %lt3A = arith.constant 80 : i32
      %lt3A_25 = arith.cmpi slt, %add3A_24, %lt3A : i32
      %convert_element_type3A = arith.extui %lt3A_25 : i1 to i32
      %cond3A = arith.constant 0 : i32
      %cond3A_26 = arith.cmpi ne, %convert_element_type3A, %cond3A : i32
      scf.if %cond3A_26 {
        %add3A_65 = arith.constant 1 : i32
        %add3A_66 = arith.addi %add3A_22, %add3A_65 : i32
        %run_scoped3A_67 = arith.constant 1 : i32
        "tpu.region"() ({
          %run_scoped3A_68 = tpu.sem_alloc : memref<!tpu.dma_semaphore, #tpu.memory_space<semaphore_mem>>
          %dma_start3A_69 = arith.constant 0 : i32
          %dma_start3A_70 = tpu.memref_slice %arg8[%run_scoped3A_67, %dma_start3A_69] : memref<2x128xi32, #tpu.memory_space<vmem>> -> memref<1x128xi32, #tpu.memory_space<vmem>>
          %dma_start3A_71 = tpu.memref_squeeze %dma_start3A_70 : memref<1x128xi32, #tpu.memory_space<vmem>> -> memref<128xi32, #tpu.memory_space<vmem>>
          %dma_start3A_72 = arith.constant 0 : i32
          %dma_start3A_73 = tpu.memref_slice %arg3[%add3A, %add3A_66, %dma_start3A_72] : memref<32x80x128xi32, #tpu.memory_space<hbm>> -> memref<1x1x128xi32, #tpu.memory_space<hbm>>
          %dma_start3A_74 = tpu.memref_squeeze %dma_start3A_73 : memref<1x1x128xi32, #tpu.memory_space<hbm>> -> memref<128xi32, #tpu.memory_space<hbm>>
          %dma_start3A_75 = arith.constant 0 : i32
          %dma_start3A_76 = tpu.memref_slice %arg8[%run_scoped3A_67, %dma_start3A_75] : memref<2x128xi32, #tpu.memory_space<vmem>> -> memref<1x128xi32, #tpu.memory_space<vmem>>
          %dma_start3A_77 = tpu.memref_squeeze %dma_start3A_76 : memref<1x128xi32, #tpu.memory_space<vmem>> -> memref<128xi32, #tpu.memory_space<vmem>>
          %dma_start3A_78 = arith.constant 0 : i32
          %dma_start3A_79 = tpu.memref_slice %arg3[%add3A, %add3A_66, %dma_start3A_78] : memref<32x80x128xi32, #tpu.memory_space<hbm>> -> memref<1x1x128xi32, #tpu.memory_space<hbm>>
          %dma_start3A_80 = tpu.memref_squeeze %dma_start3A_79 : memref<1x1x128xi32, #tpu.memory_space<hbm>> -> memref<128xi32, #tpu.memory_space<hbm>>
          tpu.enqueue_dma source(%dma_start3A_80 : memref<128xi32, #tpu.memory_space<hbm>>) target(%dma_start3A_77 : memref<128xi32, #tpu.memory_space<vmem>>) target_semaphore(%run_scoped3A_68 : memref<!tpu.dma_semaphore, #tpu.memory_space<semaphore_mem>>)
          %dma_wait3A_81 = arith.constant 0 : i32
          %dma_wait3A_82 = tpu.memref_slice %arg8[%run_scoped3A_67, %dma_wait3A_81] : memref<2x128xi32, #tpu.memory_space<vmem>> -> memref<1x128xi32, #tpu.memory_space<vmem>>
          %dma_wait3A_83 = tpu.memref_squeeze %dma_wait3A_82 : memref<1x128xi32, #tpu.memory_space<vmem>> -> memref<128xi32, #tpu.memory_space<vmem>>
          %dma_wait3A_84 = arith.constant 0 : i32
          %dma_wait3A_85 = tpu.memref_slice %arg3[%add3A, %add3A_66, %dma_wait3A_84] : memref<32x80x128xi32, #tpu.memory_space<hbm>> -> memref<1x1x128xi32, #tpu.memory_space<hbm>>
          %dma_wait3A_86 = tpu.memref_squeeze %dma_wait3A_85 : memref<1x1x128xi32, #tpu.memory_space<hbm>> -> memref<128xi32, #tpu.memory_space<hbm>>
          %dma_wait3A_87 = arith.constant 0 : i32
          %dma_wait3A_88 = tpu.memref_slice %arg8[%run_scoped3A_67, %dma_wait3A_87] : memref<2x128xi32, #tpu.memory_space<vmem>> -> memref<1x128xi32, #tpu.memory_space<vmem>>
          %dma_wait3A_89 = tpu.memref_squeeze %dma_wait3A_88 : memref<1x128xi32, #tpu.memory_space<vmem>> -> memref<128xi32, #tpu.memory_space<vmem>>
          %dma_wait3A_90 = arith.constant 0 : i32
          %dma_wait3A_91 = tpu.memref_slice %arg3[%add3A, %add3A_66, %dma_wait3A_90] : memref<32x80x128xi32, #tpu.memory_space<hbm>> -> memref<1x1x128xi32, #tpu.memory_space<hbm>>
          %dma_wait3A_92 = tpu.memref_squeeze %dma_wait3A_91 : memref<1x1x128xi32, #tpu.memory_space<hbm>> -> memref<128xi32, #tpu.memory_space<hbm>>
          tpu.wait_dma2 semaphore(%run_scoped3A_68 : memref<!tpu.dma_semaphore, #tpu.memory_space<semaphore_mem>>) src(%dma_wait3A_92 : memref<128xi32, #tpu.memory_space<hbm>>) dst(%dma_wait3A_89 : memref<128xi32, #tpu.memory_space<vmem>>)
          tpu.yield
        }) : () -> ()
      } else {
      }
      %dma_wait3A = arith.constant 0 : i32
      %dma_wait3A_27 = arith.constant 0 : i32
      %dma_wait3A_28 = tpu.memref_slice %arg8[%dma_wait3A, %dma_wait3A_27] : memref<2x128xi32, #tpu.memory_space<vmem>> -> memref<1x128xi32, #tpu.memory_space<vmem>>
      %dma_wait3A_29 = tpu.memref_squeeze %dma_wait3A_28 : memref<1x128xi32, #tpu.memory_space<vmem>> -> memref<128xi32, #tpu.memory_space<vmem>>
      %dma_wait3A_30 = arith.constant 0 : i32
      %dma_wait3A_31 = arith.constant 0 : i32
      %dma_wait3A_32 = tpu.memref_slice %arg2[%dma_wait3A_30, %dma_wait3A_31] : memref<10000x128xf32, #tpu.memory_space<hbm>> -> memref<10000x128xf32, #tpu.memory_space<hbm>>
      tpu.wait_indirect_dma semaphore(%arg12 : memref<!tpu.dma_semaphore, #tpu.memory_space<semaphore_mem>>) src(%dma_wait3A_32 : memref<10000x128xf32, #tpu.memory_space<hbm>>) dst(%arg10 : memref<128x128xf32, #tpu.memory_space<vmem>>)
      %add3A_33 = arith.constant 1 : i32
      %add3A_34 = arith.addi %add3A_22, %add3A_33 : i32
      %lt3A_35 = arith.constant 80 : i32
      %lt3A_36 = arith.cmpi slt, %add3A_34, %lt3A_35 : i32
      %convert_element_type3A_37 = arith.extui %lt3A_36 : i1 to i32
      %cond3A_38 = arith.constant 0 : i32
      %cond3A_39 = arith.cmpi ne, %convert_element_type3A_37, %cond3A_38 : i32
      scf.if %cond3A_39 {
        %dma_start3A_65 = arith.constant 1 : i32
        %dma_start3A_66 = arith.constant 0 : i32
        %dma_start3A_67 = tpu.memref_slice %arg8[%dma_start3A_65, %dma_start3A_66] : memref<2x128xi32, #tpu.memory_space<vmem>> -> memref<1x128xi32, #tpu.memory_space<vmem>>
        %dma_start3A_68 = tpu.memref_squeeze %dma_start3A_67 : memref<1x128xi32, #tpu.memory_space<vmem>> -> memref<128xi32, #tpu.memory_space<vmem>>
        %dma_start3A_69 = arith.constant 0 : i32
        %dma_start3A_70 = arith.constant 0 : i32
        %dma_start3A_71 = tpu.memref_slice %arg2[%dma_start3A_69, %dma_start3A_70] : memref<10000x128xf32, #tpu.memory_space<hbm>> -> memref<10000x128xf32, #tpu.memory_space<hbm>>
        tpu.enqueue_indirect_dma source(%dma_start3A_71 : memref<10000x128xf32, #tpu.memory_space<hbm>>) target(%arg11 : memref<128x128xf32, #tpu.memory_space<vmem>>) offsets(%dma_start3A_68 : memref<128xi32, #tpu.memory_space<vmem>>) semaphore(%arg13 : memref<!tpu.dma_semaphore, #tpu.memory_space<semaphore_mem>>)
      } else {
      }
      "tpu.region"() ({
        %run_scoped3A_65 = tpu.sem_alloc : memref<!tpu.dma_semaphore, #tpu.memory_space<semaphore_mem>>
        %dma_start3A_66 = arith.constant 0 : i32
        %dma_start3A_67 = tpu.memref_slice %arg9[%add3A_22, %dma_start3A_66] : memref<80x128xi32, #tpu.memory_space<vmem>> -> memref<1x128xi32, #tpu.memory_space<vmem>>
        %dma_start3A_68 = tpu.memref_squeeze %dma_start3A_67 : memref<1x128xi32, #tpu.memory_space<vmem>> -> memref<128xi32, #tpu.memory_space<vmem>>
        %dma_start3A_69 = arith.constant 0 : i32
        %dma_start3A_70 = arith.constant 0 : i32
        %dma_start3A_71 = tpu.memref_slice %arg7[%dma_start3A_69, %dma_start3A_70] : memref<10240x128xf32, #tpu.memory_space<vmem_shared>> -> memref<10240x128xf32, #tpu.memory_space<vmem_shared>>
        tpu.enqueue_indirect_dma source(%arg10 : memref<128x128xf32, #tpu.memory_space<vmem>>) target(%dma_start3A_71 : memref<10240x128xf32, #tpu.memory_space<vmem_shared>>) offsets(%dma_start3A_68 : memref<128xi32, #tpu.memory_space<vmem>>) semaphore(%run_scoped3A_65 : memref<!tpu.dma_semaphore, #tpu.memory_space<semaphore_mem>>) {add = true}
        %dma_wait3A_72 = arith.constant 0 : i32
        %dma_wait3A_73 = tpu.memref_slice %arg9[%add3A_22, %dma_wait3A_72] : memref<80x128xi32, #tpu.memory_space<vmem>> -> memref<1x128xi32, #tpu.memory_space<vmem>>
        %dma_wait3A_74 = tpu.memref_squeeze %dma_wait3A_73 : memref<1x128xi32, #tpu.memory_space<vmem>> -> memref<128xi32, #tpu.memory_space<vmem>>
        %dma_wait3A_75 = arith.constant 0 : i32
        %dma_wait3A_76 = arith.constant 0 : i32
        %dma_wait3A_77 = tpu.memref_slice %arg7[%dma_wait3A_75, %dma_wait3A_76] : memref<10240x128xf32, #tpu.memory_space<vmem_shared>> -> memref<10240x128xf32, #tpu.memory_space<vmem_shared>>
        tpu.wait_indirect_dma semaphore(%run_scoped3A_65 : memref<!tpu.dma_semaphore, #tpu.memory_space<semaphore_mem>>) src(%arg10 : memref<128x128xf32, #tpu.memory_space<vmem>>) dst(%dma_wait3A_77 : memref<10240x128xf32, #tpu.memory_space<vmem_shared>>)
        tpu.yield
      }) : () -> ()
      %mul3A_40 = arith.constant 2 : i32
      %mul3A_41 = arith.muli %scan3A_18, %mul3A_40 : i32
      %add3A_42 = arith.constant 1 : i32
      %add3A_43 = arith.addi %mul3A_41, %add3A_42 : i32
      %add3A_44 = arith.constant 1 : i32
      %add3A_45 = arith.addi %add3A_43, %add3A_44 : i32
      %lt3A_46 = arith.constant 80 : i32
      %lt3A_47 = arith.cmpi slt, %add3A_45, %lt3A_46 : i32
      %convert_element_type3A_48 = arith.extui %lt3A_47 : i1 to i32
      %cond3A_49 = arith.constant 0 : i32
      %cond3A_50 = arith.cmpi ne, %convert_element_type3A_48, %cond3A_49 : i32
      scf.if %cond3A_50 {
        %add3A_65 = arith.constant 1 : i32
        %add3A_66 = arith.addi %add3A_43, %add3A_65 : i32
        %run_scoped3A_67 = arith.constant 0 : i32
        "tpu.region"() ({
          %run_scoped3A_68 = tpu.sem_alloc : memref<!tpu.dma_semaphore, #tpu.memory_space<semaphore_mem>>
          %dma_start3A_69 = arith.constant 0 : i32
          %dma_start3A_70 = tpu.memref_slice %arg8[%run_scoped3A_67, %dma_start3A_69] : memref<2x128xi32, #tpu.memory_space<vmem>> -> memref<1x128xi32, #tpu.memory_space<vmem>>
          %dma_start3A_71 = tpu.memref_squeeze %dma_start3A_70 : memref<1x128xi32, #tpu.memory_space<vmem>> -> memref<128xi32, #tpu.memory_space<vmem>>
          %dma_start3A_72 = arith.constant 0 : i32
          %dma_start3A_73 = tpu.memref_slice %arg3[%add3A, %add3A_66, %dma_start3A_72] : memref<32x80x128xi32, #tpu.memory_space<hbm>> -> memref<1x1x128xi32, #tpu.memory_space<hbm>>
          %dma_start3A_74 = tpu.memref_squeeze %dma_start3A_73 : memref<1x1x128xi32, #tpu.memory_space<hbm>> -> memref<128xi32, #tpu.memory_space<hbm>>
          %dma_start3A_75 = arith.constant 0 : i32
          %dma_start3A_76 = tpu.memref_slice %arg8[%run_scoped3A_67, %dma_start3A_75] : memref<2x128xi32, #tpu.memory_space<vmem>> -> memref<1x128xi32, #tpu.memory_space<vmem>>
          %dma_start3A_77 = tpu.memref_squeeze %dma_start3A_76 : memref<1x128xi32, #tpu.memory_space<vmem>> -> memref<128xi32, #tpu.memory_space<vmem>>
          %dma_start3A_78 = arith.constant 0 : i32
          %dma_start3A_79 = tpu.memref_slice %arg3[%add3A, %add3A_66, %dma_start3A_78] : memref<32x80x128xi32, #tpu.memory_space<hbm>> -> memref<1x1x128xi32, #tpu.memory_space<hbm>>
          %dma_start3A_80 = tpu.memref_squeeze %dma_start3A_79 : memref<1x1x128xi32, #tpu.memory_space<hbm>> -> memref<128xi32, #tpu.memory_space<hbm>>
          tpu.enqueue_dma source(%dma_start3A_80 : memref<128xi32, #tpu.memory_space<hbm>>) target(%dma_start3A_77 : memref<128xi32, #tpu.memory_space<vmem>>) target_semaphore(%run_scoped3A_68 : memref<!tpu.dma_semaphore, #tpu.memory_space<semaphore_mem>>)
          %dma_wait3A_81 = arith.constant 0 : i32
          %dma_wait3A_82 = tpu.memref_slice %arg8[%run_scoped3A_67, %dma_wait3A_81] : memref<2x128xi32, #tpu.memory_space<vmem>> -> memref<1x128xi32, #tpu.memory_space<vmem>>
          %dma_wait3A_83 = tpu.memref_squeeze %dma_wait3A_82 : memref<1x128xi32, #tpu.memory_space<vmem>> -> memref<128xi32, #tpu.memory_space<vmem>>
          %dma_wait3A_84 = arith.constant 0 : i32
          %dma_wait3A_85 = tpu.memref_slice %arg3[%add3A, %add3A_66, %dma_wait3A_84] : memref<32x80x128xi32, #tpu.memory_space<hbm>> -> memref<1x1x128xi32, #tpu.memory_space<hbm>>
          %dma_wait3A_86 = tpu.memref_squeeze %dma_wait3A_85 : memref<1x1x128xi32, #tpu.memory_space<hbm>> -> memref<128xi32, #tpu.memory_space<hbm>>
          %dma_wait3A_87 = arith.constant 0 : i32
          %dma_wait3A_88 = tpu.memref_slice %arg8[%run_scoped3A_67, %dma_wait3A_87] : memref<2x128xi32, #tpu.memory_space<vmem>> -> memref<1x128xi32, #tpu.memory_space<vmem>>
          %dma_wait3A_89 = tpu.memref_squeeze %dma_wait3A_88 : memref<1x128xi32, #tpu.memory_space<vmem>> -> memref<128xi32, #tpu.memory_space<vmem>>
          %dma_wait3A_90 = arith.constant 0 : i32
          %dma_wait3A_91 = tpu.memref_slice %arg3[%add3A, %add3A_66, %dma_wait3A_90] : memref<32x80x128xi32, #tpu.memory_space<hbm>> -> memref<1x1x128xi32, #tpu.memory_space<hbm>>
          %dma_wait3A_92 = tpu.memref_squeeze %dma_wait3A_91 : memref<1x1x128xi32, #tpu.memory_space<hbm>> -> memref<128xi32, #tpu.memory_space<hbm>>
          tpu.wait_dma2 semaphore(%run_scoped3A_68 : memref<!tpu.dma_semaphore, #tpu.memory_space<semaphore_mem>>) src(%dma_wait3A_92 : memref<128xi32, #tpu.memory_space<hbm>>) dst(%dma_wait3A_89 : memref<128xi32, #tpu.memory_space<vmem>>)
          tpu.yield
        }) : () -> ()
      } else {
      }
      %dma_wait3A_51 = arith.constant 1 : i32
      %dma_wait3A_52 = arith.constant 0 : i32
      %dma_wait3A_53 = tpu.memref_slice %arg8[%dma_wait3A_51, %dma_wait3A_52] : memref<2x128xi32, #tpu.memory_space<vmem>> -> memref<1x128xi32, #tpu.memory_space<vmem>>
      %dma_wait3A_54 = tpu.memref_squeeze %dma_wait3A_53 : memref<1x128xi32, #tpu.memory_space<vmem>> -> memref<128xi32, #tpu.memory_space<vmem>>
      %dma_wait3A_55 = arith.constant 0 : i32
      %dma_wait3A_56 = arith.constant 0 : i32
      %dma_wait3A_57 = tpu.memref_slice %arg2[%dma_wait3A_55, %dma_wait3A_56] : memref<10000x128xf32, #tpu.memory_space<hbm>> -> memref<10000x128xf32, #tpu.memory_space<hbm>>
      tpu.wait_indirect_dma semaphore(%arg13 : memref<!tpu.dma_semaphore, #tpu.memory_space<semaphore_mem>>) src(%dma_wait3A_57 : memref<10000x128xf32, #tpu.memory_space<hbm>>) dst(%arg11 : memref<128x128xf32, #tpu.memory_space<vmem>>)
      %add3A_58 = arith.constant 1 : i32
      %add3A_59 = arith.addi %add3A_43, %add3A_58 : i32
      %lt3A_60 = arith.constant 80 : i32
      %lt3A_61 = arith.cmpi slt, %add3A_59, %lt3A_60 : i32
      %convert_element_type3A_62 = arith.extui %lt3A_61 : i1 to i32
      %cond3A_63 = arith.constant 0 : i32
      %cond3A_64 = arith.cmpi ne, %convert_element_type3A_62, %cond3A_63 : i32
      scf.if %cond3A_64 {
        %dma_start3A_65 = arith.constant 0 : i32
        %dma_start3A_66 = arith.constant 0 : i32
        %dma_start3A_67 = tpu.memref_slice %arg8[%dma_start3A_65, %dma_start3A_66] : memref<2x128xi32, #tpu.memory_space<vmem>> -> memref<1x128xi32, #tpu.memory_space<vmem>>
        %dma_start3A_68 = tpu.memref_squeeze %dma_start3A_67 : memref<1x128xi32, #tpu.memory_space<vmem>> -> memref<128xi32, #tpu.memory_space<vmem>>
        %dma_start3A_69 = arith.constant 0 : i32
        %dma_start3A_70 = arith.constant 0 : i32
        %dma_start3A_71 = tpu.memref_slice %arg2[%dma_start3A_69, %dma_start3A_70] : memref<10000x128xf32, #tpu.memory_space<hbm>> -> memref<10000x128xf32, #tpu.memory_space<hbm>>
        tpu.enqueue_indirect_dma source(%dma_start3A_71 : memref<10000x128xf32, #tpu.memory_space<hbm>>) target(%arg10 : memref<128x128xf32, #tpu.memory_space<vmem>>) offsets(%dma_start3A_68 : memref<128xi32, #tpu.memory_space<vmem>>) semaphore(%arg12 : memref<!tpu.dma_semaphore, #tpu.memory_space<semaphore_mem>>)
      } else {
      }
      "tpu.region"() ({
        %run_scoped3A_65 = tpu.sem_alloc : memref<!tpu.dma_semaphore, #tpu.memory_space<semaphore_mem>>
        %dma_start3A_66 = arith.constant 0 : i32
        %dma_start3A_67 = tpu.memref_slice %arg9[%add3A_43, %dma_start3A_66] : memref<80x128xi32, #tpu.memory_space<vmem>> -> memref<1x128xi32, #tpu.memory_space<vmem>>
        %dma_start3A_68 = tpu.memref_squeeze %dma_start3A_67 : memref<1x128xi32, #tpu.memory_space<vmem>> -> memref<128xi32, #tpu.memory_space<vmem>>
        %dma_start3A_69 = arith.constant 0 : i32
        %dma_start3A_70 = arith.constant 0 : i32
        %dma_start3A_71 = tpu.memref_slice %arg7[%dma_start3A_69, %dma_start3A_70] : memref<10240x128xf32, #tpu.memory_space<vmem_shared>> -> memref<10240x128xf32, #tpu.memory_space<vmem_shared>>
        tpu.enqueue_indirect_dma source(%arg11 : memref<128x128xf32, #tpu.memory_space<vmem>>) target(%dma_start3A_71 : memref<10240x128xf32, #tpu.memory_space<vmem_shared>>) offsets(%dma_start3A_68 : memref<128xi32, #tpu.memory_space<vmem>>) semaphore(%run_scoped3A_65 : memref<!tpu.dma_semaphore, #tpu.memory_space<semaphore_mem>>) {add = true}
        %dma_wait3A_72 = arith.constant 0 : i32
        %dma_wait3A_73 = tpu.memref_slice %arg9[%add3A_43, %dma_wait3A_72] : memref<80x128xi32, #tpu.memory_space<vmem>> -> memref<1x128xi32, #tpu.memory_space<vmem>>
        %dma_wait3A_74 = tpu.memref_squeeze %dma_wait3A_73 : memref<1x128xi32, #tpu.memory_space<vmem>> -> memref<128xi32, #tpu.memory_space<vmem>>
        %dma_wait3A_75 = arith.constant 0 : i32
        %dma_wait3A_76 = arith.constant 0 : i32
        %dma_wait3A_77 = tpu.memref_slice %arg7[%dma_wait3A_75, %dma_wait3A_76] : memref<10240x128xf32, #tpu.memory_space<vmem_shared>> -> memref<10240x128xf32, #tpu.memory_space<vmem_shared>>
        tpu.wait_indirect_dma semaphore(%run_scoped3A_65 : memref<!tpu.dma_semaphore, #tpu.memory_space<semaphore_mem>>) src(%arg11 : memref<128x128xf32, #tpu.memory_space<vmem>>) dst(%dma_wait3A_77 : memref<10240x128xf32, #tpu.memory_space<vmem_shared>>)
        tpu.yield
      }) : () -> ()
    }
    %scan3A_14 = arith.constant 40 : i32
    %barrier3A_15 = arith.constant 0 : index
    tpu.barrier barrier_id(%barrier3A_15)
    %mul3A_16 = arith.constant 632 : i32
    %mul3A_17 = arith.muli %arg1, %mul3A_16 : i32
    "tpu.region"() ({
      %run_scoped3A_18 = tpu.sem_alloc : memref<!tpu.dma_semaphore, #tpu.memory_space<semaphore_mem>>
      %dma_start3A_19 = arith.constant 0 : i32
      %dma_start3A_20 = tpu.memref_slice %arg6[%arg0, %mul3A_17, %dma_start3A_19] : memref<2x10112x128xf32, #tpu.memory_space<hbm>> -> memref<1x632x128xf32, #tpu.memory_space<hbm>>
      %dma_start3A_21 = tpu.memref_squeeze %dma_start3A_20 : memref<1x632x128xf32, #tpu.memory_space<hbm>> -> memref<632x128xf32, #tpu.memory_space<hbm>>
      %dma_start3A_22 = arith.constant 0 : i32
      %dma_start3A_23 = tpu.memref_slice %arg7[%mul3A_17, %dma_start3A_22] : memref<10240x128xf32, #tpu.memory_space<vmem_shared>> -> memref<632x128xf32, #tpu.memory_space<vmem_shared>>
      tpu.enqueue_dma source(%dma_start3A_23 : memref<632x128xf32, #tpu.memory_space<vmem_shared>>) target(%dma_start3A_21 : memref<632x128xf32, #tpu.memory_space<hbm>>) target_semaphore(%run_scoped3A_18 : memref<!tpu.dma_semaphore, #tpu.memory_space<semaphore_mem>>)
      %dma_wait3A = arith.constant 0 : i32
      %dma_wait3A_24 = tpu.memref_slice %arg6[%arg0, %mul3A_17, %dma_wait3A] : memref<2x10112x128xf32, #tpu.memory_space<hbm>> -> memref<1x632x128xf32, #tpu.memory_space<hbm>>
      %dma_wait3A_25 = tpu.memref_squeeze %dma_wait3A_24 : memref<1x632x128xf32, #tpu.memory_space<hbm>> -> memref<632x128xf32, #tpu.memory_space<hbm>>
      %dma_wait3A_26 = arith.constant 0 : i32
      %dma_wait3A_27 = tpu.memref_slice %arg7[%mul3A_17, %dma_wait3A_26] : memref<10240x128xf32, #tpu.memory_space<vmem_shared>> -> memref<632x128xf32, #tpu.memory_space<vmem_shared>>
      tpu.wait_dma2 semaphore(%run_scoped3A_18 : memref<!tpu.dma_semaphore, #tpu.memory_space<semaphore_mem>>) src(%dma_wait3A_27 : memref<632x128xf32, #tpu.memory_space<vmem_shared>>) dst(%dma_wait3A_25 : memref<632x128xf32, #tpu.memory_space<hbm>>)
      tpu.yield
    }) : () -> ()
    return
  }
}

#map = affine_map<(d0, d1) -> (0, 0)>
#map1 = affine_map<(d0, d1) -> (0, 0, 0)>
module attributes {stable_mosaic.version = 14 : i64} {
  func.func @body(%arg0: i32, %arg1: i32, %arg2: memref<10112x128xf32, #tpu.memory_space<hbm>>, %arg3: memref<32x80x128xi32, #tpu.memory_space<hbm>>, %arg4: memref<32x80x128xi32, #tpu.memory_space<hbm>>, %arg5: memref<10240x128xf32, #tpu.memory_space<hbm>>, %arg6: memref<2x10112x128xf32, #tpu.memory_space<hbm>>, %arg7: memref<10240x128xf32, #tpu.memory_space<vmem_shared>>, %arg8: memref<2x128xi32, #tpu.memory_space<vmem>>, %arg9: memref<80x128xi32, #tpu.memory_space<vmem>>, %arg10: memref<128x128xf32, #tpu.memory_space<vmem>>, %arg11: memref<128x128xf32, #tpu.memory_space<vmem>>, %arg12: memref<!tpu.dma_semaphore, #tpu.memory_space<semaphore_mem>>, %arg13: memref<!tpu.dma_semaphore, #tpu.memory_space<semaphore_mem>>) attributes {dimension_semantics = [#tpu.dimension_semantics<core_parallel>, #tpu.dimension_semantics<subcore_parallel>], iteration_bounds = array<i64: 2, 16>, scalar_prefetch = 0 : i64, scratch_operands = 7 : i64, tpu.core_type = #tpu.core_type<sc_vector_subcore>, window_params = [{transform_indices = #map}, {transform_indices = #map1}, {transform_indices = #map1}, {transform_indices = #map}, {transform_indices = #map1}]} {
    %mul3A = arith.constant 2 : i32
    %mul3A_0 = arith.muli %arg1, %mul3A : i32
    %add3A = arith.addi %mul3A_0, %arg0 : i32
    %mul3A_1 = arith.constant 640 : i32
    %mul3A_2 = arith.muli %arg1, %mul3A_1 : i32
    "tpu.region"() ({
      %run_scoped3A_18 = tpu.sem_alloc : memref<!tpu.dma_semaphore, #tpu.memory_space<semaphore_mem>>
      %dma_start3A_19 = arith.constant 0 : i32
      %dma_start3A_20 = tpu.memref_slice %arg7[%mul3A_2, %dma_start3A_19] : memref<10240x128xf32, #tpu.memory_space<vmem_shared>> -> memref<640x128xf32, #tpu.memory_space<vmem_shared>>
      %dma_start3A_21 = arith.constant 0 : i32
      %dma_start3A_22 = tpu.memref_slice %arg5[%mul3A_2, %dma_start3A_21] : memref<10240x128xf32, #tpu.memory_space<hbm>> -> memref<640x128xf32, #tpu.memory_space<hbm>>
      tpu.enqueue_dma source(%dma_start3A_22 : memref<640x128xf32, #tpu.memory_space<hbm>>) target(%dma_start3A_20 : memref<640x128xf32, #tpu.memory_space<vmem_shared>>) target_semaphore(%run_scoped3A_18 : memref<!tpu.dma_semaphore, #tpu.memory_space<semaphore_mem>>)
      %dma_wait3A = arith.constant 0 : i32
      %dma_wait3A_23 = tpu.memref_slice %arg7[%mul3A_2, %dma_wait3A] : memref<10240x128xf32, #tpu.memory_space<vmem_shared>> -> memref<640x128xf32, #tpu.memory_space<vmem_shared>>
      %dma_wait3A_24 = arith.constant 0 : i32
      %dma_wait3A_25 = tpu.memref_slice %arg5[%mul3A_2, %dma_wait3A_24] : memref<10240x128xf32, #tpu.memory_space<hbm>> -> memref<640x128xf32, #tpu.memory_space<hbm>>
      tpu.wait_dma2 semaphore(%run_scoped3A_18 : memref<!tpu.dma_semaphore, #tpu.memory_space<semaphore_mem>>) src(%dma_wait3A_25 : memref<640x128xf32, #tpu.memory_space<hbm>>) dst(%dma_wait3A_23 : memref<640x128xf32, #tpu.memory_space<vmem_shared>>)
      tpu.yield
    }) : () -> ()
    "tpu.region"() ({
      %run_scoped3A_18 = tpu.sem_alloc : memref<!tpu.dma_semaphore, #tpu.memory_space<semaphore_mem>>
      %dma_start3A_19 = arith.constant 0 : i32
      %dma_start3A_20 = arith.constant 0 : i32
      %dma_start3A_21 = tpu.memref_slice %arg4[%add3A, %dma_start3A_19, %dma_start3A_20] : memref<32x80x128xi32, #tpu.memory_space<hbm>> -> memref<1x80x128xi32, #tpu.memory_space<hbm>>
      %dma_start3A_22 = tpu.memref_squeeze %dma_start3A_21 : memref<1x80x128xi32, #tpu.memory_space<hbm>> -> memref<80x128xi32, #tpu.memory_space<hbm>>
      %dma_start3A_23 = arith.constant 0 : i32
      %dma_start3A_24 = arith.constant 0 : i32
      %dma_start3A_25 = tpu.memref_slice %arg4[%add3A, %dma_start3A_23, %dma_start3A_24] : memref<32x80x128xi32, #tpu.memory_space<hbm>> -> memref<1x80x128xi32, #tpu.memory_space<hbm>>
      %dma_start3A_26 = tpu.memref_squeeze %dma_start3A_25 : memref<1x80x128xi32, #tpu.memory_space<hbm>> -> memref<80x128xi32, #tpu.memory_space<hbm>>
      tpu.enqueue_dma source(%dma_start3A_26 : memref<80x128xi32, #tpu.memory_space<hbm>>) target(%arg9 : memref<80x128xi32, #tpu.memory_space<vmem>>) target_semaphore(%run_scoped3A_18 : memref<!tpu.dma_semaphore, #tpu.memory_space<semaphore_mem>>)
      %dma_wait3A = arith.constant 0 : i32
      %dma_wait3A_27 = arith.constant 0 : i32
      %dma_wait3A_28 = tpu.memref_slice %arg4[%add3A, %dma_wait3A, %dma_wait3A_27] : memref<32x80x128xi32, #tpu.memory_space<hbm>> -> memref<1x80x128xi32, #tpu.memory_space<hbm>>
      %dma_wait3A_29 = tpu.memref_squeeze %dma_wait3A_28 : memref<1x80x128xi32, #tpu.memory_space<hbm>> -> memref<80x128xi32, #tpu.memory_space<hbm>>
      %dma_wait3A_30 = arith.constant 0 : i32
      %dma_wait3A_31 = arith.constant 0 : i32
      %dma_wait3A_32 = tpu.memref_slice %arg4[%add3A, %dma_wait3A_30, %dma_wait3A_31] : memref<32x80x128xi32, #tpu.memory_space<hbm>> -> memref<1x80x128xi32, #tpu.memory_space<hbm>>
      %dma_wait3A_33 = tpu.memref_squeeze %dma_wait3A_32 : memref<1x80x128xi32, #tpu.memory_space<hbm>> -> memref<80x128xi32, #tpu.memory_space<hbm>>
      tpu.wait_dma2 semaphore(%run_scoped3A_18 : memref<!tpu.dma_semaphore, #tpu.memory_space<semaphore_mem>>) src(%dma_wait3A_33 : memref<80x128xi32, #tpu.memory_space<hbm>>) dst(%arg9 : memref<80x128xi32, #tpu.memory_space<vmem>>)
      tpu.yield
    }) : () -> ()
    %barrier3A = arith.constant 0 : index
    tpu.barrier barrier_id(%barrier3A)
    %run_scoped3A = arith.constant 0 : i32
    %run_scoped3A_3 = arith.constant 0 : i32
    "tpu.region"() ({
      %run_scoped3A_18 = tpu.sem_alloc : memref<!tpu.dma_semaphore, #tpu.memory_space<semaphore_mem>>
      %dma_start3A_19 = arith.constant 0 : i32
      %dma_start3A_20 = tpu.memref_slice %arg8[%run_scoped3A_3, %dma_start3A_19] : memref<2x128xi32, #tpu.memory_space<vmem>> -> memref<1x128xi32, #tpu.memory_space<vmem>>
      %dma_start3A_21 = tpu.memref_squeeze %dma_start3A_20 : memref<1x128xi32, #tpu.memory_space<vmem>> -> memref<128xi32, #tpu.memory_space<vmem>>
      %dma_start3A_22 = arith.constant 0 : i32
      %dma_start3A_23 = tpu.memref_slice %arg3[%add3A, %run_scoped3A, %dma_start3A_22] : memref<32x80x128xi32, #tpu.memory_space<hbm>> -> memref<1x1x128xi32, #tpu.memory_space<hbm>>
      %dma_start3A_24 = tpu.memref_squeeze %dma_start3A_23 : memref<1x1x128xi32, #tpu.memory_space<hbm>> -> memref<128xi32, #tpu.memory_space<hbm>>
      %dma_start3A_25 = arith.constant 0 : i32
      %dma_start3A_26 = tpu.memref_slice %arg8[%run_scoped3A_3, %dma_start3A_25] : memref<2x128xi32, #tpu.memory_space<vmem>> -> memref<1x128xi32, #tpu.memory_space<vmem>>
      %dma_start3A_27 = tpu.memref_squeeze %dma_start3A_26 : memref<1x128xi32, #tpu.memory_space<vmem>> -> memref<128xi32, #tpu.memory_space<vmem>>
      %dma_start3A_28 = arith.constant 0 : i32
      %dma_start3A_29 = tpu.memref_slice %arg3[%add3A, %run_scoped3A, %dma_start3A_28] : memref<32x80x128xi32, #tpu.memory_space<hbm>> -> memref<1x1x128xi32, #tpu.memory_space<hbm>>
      %dma_start3A_30 = tpu.memref_squeeze %dma_start3A_29 : memref<1x1x128xi32, #tpu.memory_space<hbm>> -> memref<128xi32, #tpu.memory_space<hbm>>
      tpu.enqueue_dma source(%dma_start3A_30 : memref<128xi32, #tpu.memory_space<hbm>>) target(%dma_start3A_27 : memref<128xi32, #tpu.memory_space<vmem>>) target_semaphore(%run_scoped3A_18 : memref<!tpu.dma_semaphore, #tpu.memory_space<semaphore_mem>>)
      %dma_wait3A = arith.constant 0 : i32
      %dma_wait3A_31 = tpu.memref_slice %arg8[%run_scoped3A_3, %dma_wait3A] : memref<2x128xi32, #tpu.memory_space<vmem>> -> memref<1x128xi32, #tpu.memory_space<vmem>>
      %dma_wait3A_32 = tpu.memref_squeeze %dma_wait3A_31 : memref<1x128xi32, #tpu.memory_space<vmem>> -> memref<128xi32, #tpu.memory_space<vmem>>
      %dma_wait3A_33 = arith.constant 0 : i32
      %dma_wait3A_34 = tpu.memref_slice %arg3[%add3A, %run_scoped3A, %dma_wait3A_33] : memref<32x80x128xi32, #tpu.memory_space<hbm>> -> memref<1x1x128xi32, #tpu.memory_space<hbm>>
      %dma_wait3A_35 = tpu.memref_squeeze %dma_wait3A_34 : memref<1x1x128xi32, #tpu.memory_space<hbm>> -> memref<128xi32, #tpu.memory_space<hbm>>
      %dma_wait3A_36 = arith.constant 0 : i32
      %dma_wait3A_37 = tpu.memref_slice %arg8[%run_scoped3A_3, %dma_wait3A_36] : memref<2x128xi32, #tpu.memory_space<vmem>> -> memref<1x128xi32, #tpu.memory_space<vmem>>
      %dma_wait3A_38 = tpu.memref_squeeze %dma_wait3A_37 : memref<1x128xi32, #tpu.memory_space<vmem>> -> memref<128xi32, #tpu.memory_space<vmem>>
      %dma_wait3A_39 = arith.constant 0 : i32
      %dma_wait3A_40 = tpu.memref_slice %arg3[%add3A, %run_scoped3A, %dma_wait3A_39] : memref<32x80x128xi32, #tpu.memory_space<hbm>> -> memref<1x1x128xi32, #tpu.memory_space<hbm>>
      %dma_wait3A_41 = tpu.memref_squeeze %dma_wait3A_40 : memref<1x1x128xi32, #tpu.memory_space<hbm>> -> memref<128xi32, #tpu.memory_space<hbm>>
      tpu.wait_dma2 semaphore(%run_scoped3A_18 : memref<!tpu.dma_semaphore, #tpu.memory_space<semaphore_mem>>) src(%dma_wait3A_41 : memref<128xi32, #tpu.memory_space<hbm>>) dst(%dma_wait3A_38 : memref<128xi32, #tpu.memory_space<vmem>>)
      tpu.yield
    }) : () -> ()
    %dma_start3A = arith.constant 0 : i32
    %dma_start3A_4 = arith.constant 0 : i32
    %dma_start3A_5 = tpu.memref_slice %arg8[%dma_start3A, %dma_start3A_4] : memref<2x128xi32, #tpu.memory_space<vmem>> -> memref<1x128xi32, #tpu.memory_space<vmem>>
    %dma_start3A_6 = tpu.memref_squeeze %dma_start3A_5 : memref<1x128xi32, #tpu.memory_space<vmem>> -> memref<128xi32, #tpu.memory_space<vmem>>
    %dma_start3A_7 = arith.constant 0 : i32
    %dma_start3A_8 = arith.constant 0 : i32
    %dma_start3A_9 = tpu.memref_slice %arg2[%dma_start3A_7, %dma_start3A_8] : memref<10112x128xf32, #tpu.memory_space<hbm>> -> memref<10112x128xf32, #tpu.memory_space<hbm>>
    tpu.enqueue_indirect_dma source(%dma_start3A_9 : memref<10112x128xf32, #tpu.memory_space<hbm>>) target(%arg10 : memref<128x128xf32, #tpu.memory_space<vmem>>) offsets(%dma_start3A_6 : memref<128xi32, #tpu.memory_space<vmem>>) semaphore(%arg12 : memref<!tpu.dma_semaphore, #tpu.memory_space<semaphore_mem>>)
    %scan3A = arith.constant 0 : i32
    %scan3A_10 = arith.constant 0 : i32
    %scan3A_11 = arith.constant 40 : i32
    %scan3A_12 = arith.addi %scan3A_10, %scan3A_11 : i32
    %scan3A_13 = arith.constant 1 : i32
    scf.for %scan3A_18 = %scan3A_10 to %scan3A_12 step %scan3A_13  : i32 {
      %mul3A_19 = arith.constant 2 : i32
      %mul3A_20 = arith.muli %scan3A_18, %mul3A_19 : i32
      %add3A_21 = arith.constant 0 : i32
      %add3A_22 = arith.addi %mul3A_20, %add3A_21 : i32
      %add3A_23 = arith.constant 1 : i32
      %add3A_24 = arith.addi %add3A_22, %add3A_23 : i32
      %lt3A = arith.constant 80 : i32
      %lt3A_25 = arith.cmpi slt, %add3A_24, %lt3A : i32
      %convert_element_type3A = arith.extui %lt3A_25 : i1 to i32
      %cond3A = arith.constant 0 : i32
      %cond3A_26 = arith.cmpi ne, %convert_element_type3A, %cond3A : i32
      scf.if %cond3A_26 {
        %add3A_65 = arith.constant 1 : i32
        %add3A_66 = arith.addi %add3A_22, %add3A_65 : i32
        %run_scoped3A_67 = arith.constant 1 : i32
        "tpu.region"() ({
          %run_scoped3A_68 = tpu.sem_alloc : memref<!tpu.dma_semaphore, #tpu.memory_space<semaphore_mem>>
          %dma_start3A_69 = arith.constant 0 : i32
          %dma_start3A_70 = tpu.memref_slice %arg8[%run_scoped3A_67, %dma_start3A_69] : memref<2x128xi32, #tpu.memory_space<vmem>> -> memref<1x128xi32, #tpu.memory_space<vmem>>
          %dma_start3A_71 = tpu.memref_squeeze %dma_start3A_70 : memref<1x128xi32, #tpu.memory_space<vmem>> -> memref<128xi32, #tpu.memory_space<vmem>>
          %dma_start3A_72 = arith.constant 0 : i32
          %dma_start3A_73 = tpu.memref_slice %arg3[%add3A, %add3A_66, %dma_start3A_72] : memref<32x80x128xi32, #tpu.memory_space<hbm>> -> memref<1x1x128xi32, #tpu.memory_space<hbm>>
          %dma_start3A_74 = tpu.memref_squeeze %dma_start3A_73 : memref<1x1x128xi32, #tpu.memory_space<hbm>> -> memref<128xi32, #tpu.memory_space<hbm>>
          %dma_start3A_75 = arith.constant 0 : i32
          %dma_start3A_76 = tpu.memref_slice %arg8[%run_scoped3A_67, %dma_start3A_75] : memref<2x128xi32, #tpu.memory_space<vmem>> -> memref<1x128xi32, #tpu.memory_space<vmem>>
          %dma_start3A_77 = tpu.memref_squeeze %dma_start3A_76 : memref<1x128xi32, #tpu.memory_space<vmem>> -> memref<128xi32, #tpu.memory_space<vmem>>
          %dma_start3A_78 = arith.constant 0 : i32
          %dma_start3A_79 = tpu.memref_slice %arg3[%add3A, %add3A_66, %dma_start3A_78] : memref<32x80x128xi32, #tpu.memory_space<hbm>> -> memref<1x1x128xi32, #tpu.memory_space<hbm>>
          %dma_start3A_80 = tpu.memref_squeeze %dma_start3A_79 : memref<1x1x128xi32, #tpu.memory_space<hbm>> -> memref<128xi32, #tpu.memory_space<hbm>>
          tpu.enqueue_dma source(%dma_start3A_80 : memref<128xi32, #tpu.memory_space<hbm>>) target(%dma_start3A_77 : memref<128xi32, #tpu.memory_space<vmem>>) target_semaphore(%run_scoped3A_68 : memref<!tpu.dma_semaphore, #tpu.memory_space<semaphore_mem>>)
          %dma_wait3A_81 = arith.constant 0 : i32
          %dma_wait3A_82 = tpu.memref_slice %arg8[%run_scoped3A_67, %dma_wait3A_81] : memref<2x128xi32, #tpu.memory_space<vmem>> -> memref<1x128xi32, #tpu.memory_space<vmem>>
          %dma_wait3A_83 = tpu.memref_squeeze %dma_wait3A_82 : memref<1x128xi32, #tpu.memory_space<vmem>> -> memref<128xi32, #tpu.memory_space<vmem>>
          %dma_wait3A_84 = arith.constant 0 : i32
          %dma_wait3A_85 = tpu.memref_slice %arg3[%add3A, %add3A_66, %dma_wait3A_84] : memref<32x80x128xi32, #tpu.memory_space<hbm>> -> memref<1x1x128xi32, #tpu.memory_space<hbm>>
          %dma_wait3A_86 = tpu.memref_squeeze %dma_wait3A_85 : memref<1x1x128xi32, #tpu.memory_space<hbm>> -> memref<128xi32, #tpu.memory_space<hbm>>
          %dma_wait3A_87 = arith.constant 0 : i32
          %dma_wait3A_88 = tpu.memref_slice %arg8[%run_scoped3A_67, %dma_wait3A_87] : memref<2x128xi32, #tpu.memory_space<vmem>> -> memref<1x128xi32, #tpu.memory_space<vmem>>
          %dma_wait3A_89 = tpu.memref_squeeze %dma_wait3A_88 : memref<1x128xi32, #tpu.memory_space<vmem>> -> memref<128xi32, #tpu.memory_space<vmem>>
          %dma_wait3A_90 = arith.constant 0 : i32
          %dma_wait3A_91 = tpu.memref_slice %arg3[%add3A, %add3A_66, %dma_wait3A_90] : memref<32x80x128xi32, #tpu.memory_space<hbm>> -> memref<1x1x128xi32, #tpu.memory_space<hbm>>
          %dma_wait3A_92 = tpu.memref_squeeze %dma_wait3A_91 : memref<1x1x128xi32, #tpu.memory_space<hbm>> -> memref<128xi32, #tpu.memory_space<hbm>>
          tpu.wait_dma2 semaphore(%run_scoped3A_68 : memref<!tpu.dma_semaphore, #tpu.memory_space<semaphore_mem>>) src(%dma_wait3A_92 : memref<128xi32, #tpu.memory_space<hbm>>) dst(%dma_wait3A_89 : memref<128xi32, #tpu.memory_space<vmem>>)
          tpu.yield
        }) : () -> ()
      } else {
      }
      %dma_wait3A = arith.constant 0 : i32
      %dma_wait3A_27 = arith.constant 0 : i32
      %dma_wait3A_28 = tpu.memref_slice %arg8[%dma_wait3A, %dma_wait3A_27] : memref<2x128xi32, #tpu.memory_space<vmem>> -> memref<1x128xi32, #tpu.memory_space<vmem>>
      %dma_wait3A_29 = tpu.memref_squeeze %dma_wait3A_28 : memref<1x128xi32, #tpu.memory_space<vmem>> -> memref<128xi32, #tpu.memory_space<vmem>>
      %dma_wait3A_30 = arith.constant 0 : i32
      %dma_wait3A_31 = arith.constant 0 : i32
      %dma_wait3A_32 = tpu.memref_slice %arg2[%dma_wait3A_30, %dma_wait3A_31] : memref<10112x128xf32, #tpu.memory_space<hbm>> -> memref<10112x128xf32, #tpu.memory_space<hbm>>
      tpu.wait_indirect_dma semaphore(%arg12 : memref<!tpu.dma_semaphore, #tpu.memory_space<semaphore_mem>>) src(%dma_wait3A_32 : memref<10112x128xf32, #tpu.memory_space<hbm>>) dst(%arg10 : memref<128x128xf32, #tpu.memory_space<vmem>>)
      %add3A_33 = arith.constant 1 : i32
      %add3A_34 = arith.addi %add3A_22, %add3A_33 : i32
      %lt3A_35 = arith.constant 80 : i32
      %lt3A_36 = arith.cmpi slt, %add3A_34, %lt3A_35 : i32
      %convert_element_type3A_37 = arith.extui %lt3A_36 : i1 to i32
      %cond3A_38 = arith.constant 0 : i32
      %cond3A_39 = arith.cmpi ne, %convert_element_type3A_37, %cond3A_38 : i32
      scf.if %cond3A_39 {
        %dma_start3A_65 = arith.constant 1 : i32
        %dma_start3A_66 = arith.constant 0 : i32
        %dma_start3A_67 = tpu.memref_slice %arg8[%dma_start3A_65, %dma_start3A_66] : memref<2x128xi32, #tpu.memory_space<vmem>> -> memref<1x128xi32, #tpu.memory_space<vmem>>
        %dma_start3A_68 = tpu.memref_squeeze %dma_start3A_67 : memref<1x128xi32, #tpu.memory_space<vmem>> -> memref<128xi32, #tpu.memory_space<vmem>>
        %dma_start3A_69 = arith.constant 0 : i32
        %dma_start3A_70 = arith.constant 0 : i32
        %dma_start3A_71 = tpu.memref_slice %arg2[%dma_start3A_69, %dma_start3A_70] : memref<10112x128xf32, #tpu.memory_space<hbm>> -> memref<10112x128xf32, #tpu.memory_space<hbm>>
        tpu.enqueue_indirect_dma source(%dma_start3A_71 : memref<10112x128xf32, #tpu.memory_space<hbm>>) target(%arg11 : memref<128x128xf32, #tpu.memory_space<vmem>>) offsets(%dma_start3A_68 : memref<128xi32, #tpu.memory_space<vmem>>) semaphore(%arg13 : memref<!tpu.dma_semaphore, #tpu.memory_space<semaphore_mem>>)
      } else {
      }
      "tpu.region"() ({
        %run_scoped3A_65 = tpu.sem_alloc : memref<!tpu.dma_semaphore, #tpu.memory_space<semaphore_mem>>
        %dma_start3A_66 = arith.constant 0 : i32
        %dma_start3A_67 = tpu.memref_slice %arg9[%add3A_22, %dma_start3A_66] : memref<80x128xi32, #tpu.memory_space<vmem>> -> memref<1x128xi32, #tpu.memory_space<vmem>>
        %dma_start3A_68 = tpu.memref_squeeze %dma_start3A_67 : memref<1x128xi32, #tpu.memory_space<vmem>> -> memref<128xi32, #tpu.memory_space<vmem>>
        %dma_start3A_69 = arith.constant 0 : i32
        %dma_start3A_70 = arith.constant 0 : i32
        %dma_start3A_71 = tpu.memref_slice %arg7[%dma_start3A_69, %dma_start3A_70] : memref<10240x128xf32, #tpu.memory_space<vmem_shared>> -> memref<10240x128xf32, #tpu.memory_space<vmem_shared>>
        tpu.enqueue_indirect_dma source(%arg10 : memref<128x128xf32, #tpu.memory_space<vmem>>) target(%dma_start3A_71 : memref<10240x128xf32, #tpu.memory_space<vmem_shared>>) offsets(%dma_start3A_68 : memref<128xi32, #tpu.memory_space<vmem>>) semaphore(%run_scoped3A_65 : memref<!tpu.dma_semaphore, #tpu.memory_space<semaphore_mem>>) {add = true}
        %dma_wait3A_72 = arith.constant 0 : i32
        %dma_wait3A_73 = tpu.memref_slice %arg9[%add3A_22, %dma_wait3A_72] : memref<80x128xi32, #tpu.memory_space<vmem>> -> memref<1x128xi32, #tpu.memory_space<vmem>>
        %dma_wait3A_74 = tpu.memref_squeeze %dma_wait3A_73 : memref<1x128xi32, #tpu.memory_space<vmem>> -> memref<128xi32, #tpu.memory_space<vmem>>
        %dma_wait3A_75 = arith.constant 0 : i32
        %dma_wait3A_76 = arith.constant 0 : i32
        %dma_wait3A_77 = tpu.memref_slice %arg7[%dma_wait3A_75, %dma_wait3A_76] : memref<10240x128xf32, #tpu.memory_space<vmem_shared>> -> memref<10240x128xf32, #tpu.memory_space<vmem_shared>>
        tpu.wait_indirect_dma semaphore(%run_scoped3A_65 : memref<!tpu.dma_semaphore, #tpu.memory_space<semaphore_mem>>) src(%arg10 : memref<128x128xf32, #tpu.memory_space<vmem>>) dst(%dma_wait3A_77 : memref<10240x128xf32, #tpu.memory_space<vmem_shared>>)
        tpu.yield
      }) : () -> ()
      %mul3A_40 = arith.constant 2 : i32
      %mul3A_41 = arith.muli %scan3A_18, %mul3A_40 : i32
      %add3A_42 = arith.constant 1 : i32
      %add3A_43 = arith.addi %mul3A_41, %add3A_42 : i32
      %add3A_44 = arith.constant 1 : i32
      %add3A_45 = arith.addi %add3A_43, %add3A_44 : i32
      %lt3A_46 = arith.constant 80 : i32
      %lt3A_47 = arith.cmpi slt, %add3A_45, %lt3A_46 : i32
      %convert_element_type3A_48 = arith.extui %lt3A_47 : i1 to i32
      %cond3A_49 = arith.constant 0 : i32
      %cond3A_50 = arith.cmpi ne, %convert_element_type3A_48, %cond3A_49 : i32
      scf.if %cond3A_50 {
        %add3A_65 = arith.constant 1 : i32
        %add3A_66 = arith.addi %add3A_43, %add3A_65 : i32
        %run_scoped3A_67 = arith.constant 0 : i32
        "tpu.region"() ({
          %run_scoped3A_68 = tpu.sem_alloc : memref<!tpu.dma_semaphore, #tpu.memory_space<semaphore_mem>>
          %dma_start3A_69 = arith.constant 0 : i32
          %dma_start3A_70 = tpu.memref_slice %arg8[%run_scoped3A_67, %dma_start3A_69] : memref<2x128xi32, #tpu.memory_space<vmem>> -> memref<1x128xi32, #tpu.memory_space<vmem>>
          %dma_start3A_71 = tpu.memref_squeeze %dma_start3A_70 : memref<1x128xi32, #tpu.memory_space<vmem>> -> memref<128xi32, #tpu.memory_space<vmem>>
          %dma_start3A_72 = arith.constant 0 : i32
          %dma_start3A_73 = tpu.memref_slice %arg3[%add3A, %add3A_66, %dma_start3A_72] : memref<32x80x128xi32, #tpu.memory_space<hbm>> -> memref<1x1x128xi32, #tpu.memory_space<hbm>>
          %dma_start3A_74 = tpu.memref_squeeze %dma_start3A_73 : memref<1x1x128xi32, #tpu.memory_space<hbm>> -> memref<128xi32, #tpu.memory_space<hbm>>
          %dma_start3A_75 = arith.constant 0 : i32
          %dma_start3A_76 = tpu.memref_slice %arg8[%run_scoped3A_67, %dma_start3A_75] : memref<2x128xi32, #tpu.memory_space<vmem>> -> memref<1x128xi32, #tpu.memory_space<vmem>>
          %dma_start3A_77 = tpu.memref_squeeze %dma_start3A_76 : memref<1x128xi32, #tpu.memory_space<vmem>> -> memref<128xi32, #tpu.memory_space<vmem>>
          %dma_start3A_78 = arith.constant 0 : i32
          %dma_start3A_79 = tpu.memref_slice %arg3[%add3A, %add3A_66, %dma_start3A_78] : memref<32x80x128xi32, #tpu.memory_space<hbm>> -> memref<1x1x128xi32, #tpu.memory_space<hbm>>
          %dma_start3A_80 = tpu.memref_squeeze %dma_start3A_79 : memref<1x1x128xi32, #tpu.memory_space<hbm>> -> memref<128xi32, #tpu.memory_space<hbm>>
          tpu.enqueue_dma source(%dma_start3A_80 : memref<128xi32, #tpu.memory_space<hbm>>) target(%dma_start3A_77 : memref<128xi32, #tpu.memory_space<vmem>>) target_semaphore(%run_scoped3A_68 : memref<!tpu.dma_semaphore, #tpu.memory_space<semaphore_mem>>)
          %dma_wait3A_81 = arith.constant 0 : i32
          %dma_wait3A_82 = tpu.memref_slice %arg8[%run_scoped3A_67, %dma_wait3A_81] : memref<2x128xi32, #tpu.memory_space<vmem>> -> memref<1x128xi32, #tpu.memory_space<vmem>>
          %dma_wait3A_83 = tpu.memref_squeeze %dma_wait3A_82 : memref<1x128xi32, #tpu.memory_space<vmem>> -> memref<128xi32, #tpu.memory_space<vmem>>
          %dma_wait3A_84 = arith.constant 0 : i32
          %dma_wait3A_85 = tpu.memref_slice %arg3[%add3A, %add3A_66, %dma_wait3A_84] : memref<32x80x128xi32, #tpu.memory_space<hbm>> -> memref<1x1x128xi32, #tpu.memory_space<hbm>>
          %dma_wait3A_86 = tpu.memref_squeeze %dma_wait3A_85 : memref<1x1x128xi32, #tpu.memory_space<hbm>> -> memref<128xi32, #tpu.memory_space<hbm>>
          %dma_wait3A_87 = arith.constant 0 : i32
          %dma_wait3A_88 = tpu.memref_slice %arg8[%run_scoped3A_67, %dma_wait3A_87] : memref<2x128xi32, #tpu.memory_space<vmem>> -> memref<1x128xi32, #tpu.memory_space<vmem>>
          %dma_wait3A_89 = tpu.memref_squeeze %dma_wait3A_88 : memref<1x128xi32, #tpu.memory_space<vmem>> -> memref<128xi32, #tpu.memory_space<vmem>>
          %dma_wait3A_90 = arith.constant 0 : i32
          %dma_wait3A_91 = tpu.memref_slice %arg3[%add3A, %add3A_66, %dma_wait3A_90] : memref<32x80x128xi32, #tpu.memory_space<hbm>> -> memref<1x1x128xi32, #tpu.memory_space<hbm>>
          %dma_wait3A_92 = tpu.memref_squeeze %dma_wait3A_91 : memref<1x1x128xi32, #tpu.memory_space<hbm>> -> memref<128xi32, #tpu.memory_space<hbm>>
          tpu.wait_dma2 semaphore(%run_scoped3A_68 : memref<!tpu.dma_semaphore, #tpu.memory_space<semaphore_mem>>) src(%dma_wait3A_92 : memref<128xi32, #tpu.memory_space<hbm>>) dst(%dma_wait3A_89 : memref<128xi32, #tpu.memory_space<vmem>>)
          tpu.yield
        }) : () -> ()
      } else {
      }
      %dma_wait3A_51 = arith.constant 1 : i32
      %dma_wait3A_52 = arith.constant 0 : i32
      %dma_wait3A_53 = tpu.memref_slice %arg8[%dma_wait3A_51, %dma_wait3A_52] : memref<2x128xi32, #tpu.memory_space<vmem>> -> memref<1x128xi32, #tpu.memory_space<vmem>>
      %dma_wait3A_54 = tpu.memref_squeeze %dma_wait3A_53 : memref<1x128xi32, #tpu.memory_space<vmem>> -> memref<128xi32, #tpu.memory_space<vmem>>
      %dma_wait3A_55 = arith.constant 0 : i32
      %dma_wait3A_56 = arith.constant 0 : i32
      %dma_wait3A_57 = tpu.memref_slice %arg2[%dma_wait3A_55, %dma_wait3A_56] : memref<10112x128xf32, #tpu.memory_space<hbm>> -> memref<10112x128xf32, #tpu.memory_space<hbm>>
      tpu.wait_indirect_dma semaphore(%arg13 : memref<!tpu.dma_semaphore, #tpu.memory_space<semaphore_mem>>) src(%dma_wait3A_57 : memref<10112x128xf32, #tpu.memory_space<hbm>>) dst(%arg11 : memref<128x128xf32, #tpu.memory_space<vmem>>)
      %add3A_58 = arith.constant 1 : i32
      %add3A_59 = arith.addi %add3A_43, %add3A_58 : i32
      %lt3A_60 = arith.constant 80 : i32
      %lt3A_61 = arith.cmpi slt, %add3A_59, %lt3A_60 : i32
      %convert_element_type3A_62 = arith.extui %lt3A_61 : i1 to i32
      %cond3A_63 = arith.constant 0 : i32
      %cond3A_64 = arith.cmpi ne, %convert_element_type3A_62, %cond3A_63 : i32
      scf.if %cond3A_64 {
        %dma_start3A_65 = arith.constant 0 : i32
        %dma_start3A_66 = arith.constant 0 : i32
        %dma_start3A_67 = tpu.memref_slice %arg8[%dma_start3A_65, %dma_start3A_66] : memref<2x128xi32, #tpu.memory_space<vmem>> -> memref<1x128xi32, #tpu.memory_space<vmem>>
        %dma_start3A_68 = tpu.memref_squeeze %dma_start3A_67 : memref<1x128xi32, #tpu.memory_space<vmem>> -> memref<128xi32, #tpu.memory_space<vmem>>
        %dma_start3A_69 = arith.constant 0 : i32
        %dma_start3A_70 = arith.constant 0 : i32
        %dma_start3A_71 = tpu.memref_slice %arg2[%dma_start3A_69, %dma_start3A_70] : memref<10112x128xf32, #tpu.memory_space<hbm>> -> memref<10112x128xf32, #tpu.memory_space<hbm>>
        tpu.enqueue_indirect_dma source(%dma_start3A_71 : memref<10112x128xf32, #tpu.memory_space<hbm>>) target(%arg10 : memref<128x128xf32, #tpu.memory_space<vmem>>) offsets(%dma_start3A_68 : memref<128xi32, #tpu.memory_space<vmem>>) semaphore(%arg12 : memref<!tpu.dma_semaphore, #tpu.memory_space<semaphore_mem>>)
      } else {
      }
      "tpu.region"() ({
        %run_scoped3A_65 = tpu.sem_alloc : memref<!tpu.dma_semaphore, #tpu.memory_space<semaphore_mem>>
        %dma_start3A_66 = arith.constant 0 : i32
        %dma_start3A_67 = tpu.memref_slice %arg9[%add3A_43, %dma_start3A_66] : memref<80x128xi32, #tpu.memory_space<vmem>> -> memref<1x128xi32, #tpu.memory_space<vmem>>
        %dma_start3A_68 = tpu.memref_squeeze %dma_start3A_67 : memref<1x128xi32, #tpu.memory_space<vmem>> -> memref<128xi32, #tpu.memory_space<vmem>>
        %dma_start3A_69 = arith.constant 0 : i32
        %dma_start3A_70 = arith.constant 0 : i32
        %dma_start3A_71 = tpu.memref_slice %arg7[%dma_start3A_69, %dma_start3A_70] : memref<10240x128xf32, #tpu.memory_space<vmem_shared>> -> memref<10240x128xf32, #tpu.memory_space<vmem_shared>>
        tpu.enqueue_indirect_dma source(%arg11 : memref<128x128xf32, #tpu.memory_space<vmem>>) target(%dma_start3A_71 : memref<10240x128xf32, #tpu.memory_space<vmem_shared>>) offsets(%dma_start3A_68 : memref<128xi32, #tpu.memory_space<vmem>>) semaphore(%run_scoped3A_65 : memref<!tpu.dma_semaphore, #tpu.memory_space<semaphore_mem>>) {add = true}
        %dma_wait3A_72 = arith.constant 0 : i32
        %dma_wait3A_73 = tpu.memref_slice %arg9[%add3A_43, %dma_wait3A_72] : memref<80x128xi32, #tpu.memory_space<vmem>> -> memref<1x128xi32, #tpu.memory_space<vmem>>
        %dma_wait3A_74 = tpu.memref_squeeze %dma_wait3A_73 : memref<1x128xi32, #tpu.memory_space<vmem>> -> memref<128xi32, #tpu.memory_space<vmem>>
        %dma_wait3A_75 = arith.constant 0 : i32
        %dma_wait3A_76 = arith.constant 0 : i32
        %dma_wait3A_77 = tpu.memref_slice %arg7[%dma_wait3A_75, %dma_wait3A_76] : memref<10240x128xf32, #tpu.memory_space<vmem_shared>> -> memref<10240x128xf32, #tpu.memory_space<vmem_shared>>
        tpu.wait_indirect_dma semaphore(%run_scoped3A_65 : memref<!tpu.dma_semaphore, #tpu.memory_space<semaphore_mem>>) src(%arg11 : memref<128x128xf32, #tpu.memory_space<vmem>>) dst(%dma_wait3A_77 : memref<10240x128xf32, #tpu.memory_space<vmem_shared>>)
        tpu.yield
      }) : () -> ()
    }
    %scan3A_14 = arith.constant 40 : i32
    %barrier3A_15 = arith.constant 0 : index
    tpu.barrier barrier_id(%barrier3A_15)
    %mul3A_16 = arith.constant 632 : i32
    %mul3A_17 = arith.muli %arg1, %mul3A_16 : i32
    "tpu.region"() ({
      %run_scoped3A_18 = tpu.sem_alloc : memref<!tpu.dma_semaphore, #tpu.memory_space<semaphore_mem>>
      %dma_start3A_19 = arith.constant 0 : i32
      %dma_start3A_20 = tpu.memref_slice %arg6[%arg0, %mul3A_17, %dma_start3A_19] : memref<2x10112x128xf32, #tpu.memory_space<hbm>> -> memref<1x632x128xf32, #tpu.memory_space<hbm>>
      %dma_start3A_21 = tpu.memref_squeeze %dma_start3A_20 : memref<1x632x128xf32, #tpu.memory_space<hbm>> -> memref<632x128xf32, #tpu.memory_space<hbm>>
      %dma_start3A_22 = arith.constant 0 : i32
      %dma_start3A_23 = tpu.memref_slice %arg7[%mul3A_17, %dma_start3A_22] : memref<10240x128xf32, #tpu.memory_space<vmem_shared>> -> memref<632x128xf32, #tpu.memory_space<vmem_shared>>
      tpu.enqueue_dma source(%dma_start3A_23 : memref<632x128xf32, #tpu.memory_space<vmem_shared>>) target(%dma_start3A_21 : memref<632x128xf32, #tpu.memory_space<hbm>>) target_semaphore(%run_scoped3A_18 : memref<!tpu.dma_semaphore, #tpu.memory_space<semaphore_mem>>)
      %dma_wait3A = arith.constant 0 : i32
      %dma_wait3A_24 = tpu.memref_slice %arg6[%arg0, %mul3A_17, %dma_wait3A] : memref<2x10112x128xf32, #tpu.memory_space<hbm>> -> memref<1x632x128xf32, #tpu.memory_space<hbm>>
      %dma_wait3A_25 = tpu.memref_squeeze %dma_wait3A_24 : memref<1x632x128xf32, #tpu.memory_space<hbm>> -> memref<632x128xf32, #tpu.memory_space<hbm>>
      %dma_wait3A_26 = arith.constant 0 : i32
      %dma_wait3A_27 = tpu.memref_slice %arg7[%mul3A_17, %dma_wait3A_26] : memref<10240x128xf32, #tpu.memory_space<vmem_shared>> -> memref<632x128xf32, #tpu.memory_space<vmem_shared>>
      tpu.wait_dma2 semaphore(%run_scoped3A_18 : memref<!tpu.dma_semaphore, #tpu.memory_space<semaphore_mem>>) src(%dma_wait3A_27 : memref<632x128xf32, #tpu.memory_space<vmem_shared>>) dst(%dma_wait3A_25 : memref<632x128xf32, #tpu.memory_space<hbm>>)
      tpu.yield
    }) : () -> ()
    return
  }
}

#map = affine_map<(d0, d1) -> (0)>
module attributes {stable_mosaic.version = 14 : i64} {
  func.func @body(%arg0: i32, %arg1: i32, %arg2: memref<20224xf32, #tpu.memory_space<hbm>>, %arg3: memref<327680xi32, #tpu.memory_space<hbm>>, %arg4: memref<327680xi32, #tpu.memory_space<hbm>>, %arg5: memref<327680xf32, #tpu.memory_space<hbm>>, %arg6: memref<20224xf32, #tpu.memory_space<vmem>>, %arg7: memref<10240xi32, #tpu.memory_space<vmem>>, %arg8: memref<10240xi32, #tpu.memory_space<vmem>>, %arg9: memref<10240xf32, #tpu.memory_space<vmem>>) attributes {dimension_semantics = [#tpu.dimension_semantics<core_parallel>, #tpu.dimension_semantics<subcore_parallel>], iteration_bounds = array<i64: 2, 16>, scalar_prefetch = 0 : i64, scratch_operands = 4 : i64, tpu.core_type = #tpu.core_type<sc_vector_subcore>, window_params = [{transform_indices = #map}, {transform_indices = #map}, {transform_indices = #map}, {transform_indices = #map}]} {
    %mul3A = arith.constant 2 : i32
    %mul3A_0 = arith.muli %arg1, %mul3A : i32
    %add3A = arith.addi %mul3A_0, %arg0 : i32
    %mul3A_1 = arith.constant 10240 : i32
    %mul3A_2 = arith.muli %add3A, %mul3A_1 : i32
    "tpu.region"() ({
      %run_scoped3A = tpu.sem_alloc : memref<!tpu.dma_semaphore, #tpu.memory_space<semaphore_mem>>
      tpu.enqueue_dma source(%arg2 : memref<20224xf32, #tpu.memory_space<hbm>>) target(%arg6 : memref<20224xf32, #tpu.memory_space<vmem>>) target_semaphore(%run_scoped3A : memref<!tpu.dma_semaphore, #tpu.memory_space<semaphore_mem>>)
      tpu.wait_dma2 semaphore(%run_scoped3A : memref<!tpu.dma_semaphore, #tpu.memory_space<semaphore_mem>>) src(%arg2 : memref<20224xf32, #tpu.memory_space<hbm>>) dst(%arg6 : memref<20224xf32, #tpu.memory_space<vmem>>)
      tpu.yield
    }) : () -> ()
    "tpu.region"() ({
      %run_scoped3A = tpu.sem_alloc : memref<!tpu.dma_semaphore, #tpu.memory_space<semaphore_mem>>
      %dma_start3A = tpu.memref_slice %arg3[%mul3A_2] : memref<327680xi32, #tpu.memory_space<hbm>> -> memref<10240xi32, #tpu.memory_space<hbm>>
      %dma_start3A_8 = tpu.memref_slice %arg3[%mul3A_2] : memref<327680xi32, #tpu.memory_space<hbm>> -> memref<10240xi32, #tpu.memory_space<hbm>>
      tpu.enqueue_dma source(%dma_start3A_8 : memref<10240xi32, #tpu.memory_space<hbm>>) target(%arg7 : memref<10240xi32, #tpu.memory_space<vmem>>) target_semaphore(%run_scoped3A : memref<!tpu.dma_semaphore, #tpu.memory_space<semaphore_mem>>)
      %dma_wait3A = tpu.memref_slice %arg3[%mul3A_2] : memref<327680xi32, #tpu.memory_space<hbm>> -> memref<10240xi32, #tpu.memory_space<hbm>>
      %dma_wait3A_9 = tpu.memref_slice %arg3[%mul3A_2] : memref<327680xi32, #tpu.memory_space<hbm>> -> memref<10240xi32, #tpu.memory_space<hbm>>
      tpu.wait_dma2 semaphore(%run_scoped3A : memref<!tpu.dma_semaphore, #tpu.memory_space<semaphore_mem>>) src(%dma_wait3A_9 : memref<10240xi32, #tpu.memory_space<hbm>>) dst(%arg7 : memref<10240xi32, #tpu.memory_space<vmem>>)
      tpu.yield
    }) : () -> ()
    "tpu.region"() ({
      %run_scoped3A = tpu.sem_alloc : memref<!tpu.dma_semaphore, #tpu.memory_space<semaphore_mem>>
      %dma_start3A = tpu.memref_slice %arg4[%mul3A_2] : memref<327680xi32, #tpu.memory_space<hbm>> -> memref<10240xi32, #tpu.memory_space<hbm>>
      %dma_start3A_8 = tpu.memref_slice %arg4[%mul3A_2] : memref<327680xi32, #tpu.memory_space<hbm>> -> memref<10240xi32, #tpu.memory_space<hbm>>
      tpu.enqueue_dma source(%dma_start3A_8 : memref<10240xi32, #tpu.memory_space<hbm>>) target(%arg8 : memref<10240xi32, #tpu.memory_space<vmem>>) target_semaphore(%run_scoped3A : memref<!tpu.dma_semaphore, #tpu.memory_space<semaphore_mem>>)
      %dma_wait3A = tpu.memref_slice %arg4[%mul3A_2] : memref<327680xi32, #tpu.memory_space<hbm>> -> memref<10240xi32, #tpu.memory_space<hbm>>
      %dma_wait3A_9 = tpu.memref_slice %arg4[%mul3A_2] : memref<327680xi32, #tpu.memory_space<hbm>> -> memref<10240xi32, #tpu.memory_space<hbm>>
      tpu.wait_dma2 semaphore(%run_scoped3A : memref<!tpu.dma_semaphore, #tpu.memory_space<semaphore_mem>>) src(%dma_wait3A_9 : memref<10240xi32, #tpu.memory_space<hbm>>) dst(%arg8 : memref<10240xi32, #tpu.memory_space<vmem>>)
      tpu.yield
    }) : () -> ()
    %scan3A = arith.constant 0 : i32
    %scan3A_3 = arith.constant 0 : i32
    %scan3A_4 = arith.constant 640 : i32
    %scan3A_5 = arith.addi %scan3A_3, %scan3A_4 : i32
    %scan3A_6 = arith.constant 1 : i32
    scf.for %scan3A_8 = %scan3A_3 to %scan3A_5 step %scan3A_6  : i32 {
      %mul3A_9 = arith.constant 16 : i32
      %mul3A_10 = arith.muli %scan3A_8, %mul3A_9 : i32
      %get3A = arith.index_cast %mul3A_10 : i32 to index
      %get3A_11 = tpu.vector_load %arg7[%get3A] {strides = array<i32>} : memref<10240xi32, #tpu.memory_space<vmem>>, vector<16xi32>,
      %mul3A_12 = arith.constant 16 : i32
      %mul3A_13 = arith.muli %scan3A_8, %mul3A_12 : i32
      %get3A_14 = arith.index_cast %mul3A_13 : i32 to index
      %get3A_15 = tpu.vector_load %arg8[%get3A_14] {strides = array<i32>} : memref<10240xi32, #tpu.memory_space<vmem>>, vector<16xi32>,
      %mul3A_16 = arith.constant 2 : i32
      %mul3A_17 = vector.broadcast %mul3A_16 : i32 to vector<16xi32>
      %mul3A_18 = arith.muli %get3A_11, %mul3A_17 : vector<16xi32>
      %gather3A = tpu.vector_load_idx %arg6[%mul3A_18] : memref<20224xf32, #tpu.memory_space<vmem>>[vector<16xi32>], vector<16xf32>,
      %mul3A_19 = arith.constant 2 : i32
      %mul3A_20 = vector.broadcast %mul3A_19 : i32 to vector<16xi32>
      %mul3A_21 = arith.muli %get3A_15, %mul3A_20 : vector<16xi32>
      %add3A_22 = arith.constant 1 : i32
      %add3A_23 = vector.broadcast %add3A_22 : i32 to vector<16xi32>
      %add3A_24 = arith.addi %mul3A_21, %add3A_23 : vector<16xi32>
      %gather3A_25 = tpu.vector_load_idx %arg6[%add3A_24] : memref<20224xf32, #tpu.memory_space<vmem>>[vector<16xi32>], vector<16xf32>,
      %add3A_26 = arith.addf %gather3A, %gather3A_25 : vector<16xf32>
      %mul3A_27 = arith.constant 16 : i32
      %mul3A_28 = arith.muli %scan3A_8, %mul3A_27 : i32
      %swap3A = arith.index_cast %mul3A_28 : i32 to index
      %swap3A_29 = tpu.vector_load %arg9[%swap3A] {strides = array<i32>} : memref<10240xf32, #tpu.memory_space<vmem>>, vector<16xf32>,
      tpu.vector_store %arg9[%swap3A], %add3A_26 {strides = array<i32>} : memref<10240xf32, #tpu.memory_space<vmem>>, vector<16xf32>,
    }
    %scan3A_7 = arith.constant 640 : i32
    "tpu.region"() ({
      %run_scoped3A = tpu.sem_alloc : memref<!tpu.dma_semaphore, #tpu.memory_space<semaphore_mem>>
      %dma_start3A = tpu.memref_slice %arg5[%mul3A_2] : memref<327680xf32, #tpu.memory_space<hbm>> -> memref<10240xf32, #tpu.memory_space<hbm>>
      %dma_start3A_8 = tpu.memref_slice %arg5[%mul3A_2] : memref<327680xf32, #tpu.memory_space<hbm>> -> memref<10240xf32, #tpu.memory_space<hbm>>
      tpu.enqueue_dma source(%arg9 : memref<10240xf32, #tpu.memory_space<vmem>>) target(%dma_start3A_8 : memref<10240xf32, #tpu.memory_space<hbm>>) target_semaphore(%run_scoped3A : memref<!tpu.dma_semaphore, #tpu.memory_space<semaphore_mem>>)
      %dma_wait3A = tpu.memref_slice %arg5[%mul3A_2] : memref<327680xf32, #tpu.memory_space<hbm>> -> memref<10240xf32, #tpu.memory_space<hbm>>
      %dma_wait3A_9 = tpu.memref_slice %arg5[%mul3A_2] : memref<327680xf32, #tpu.memory_space<hbm>> -> memref<10240xf32, #tpu.memory_space<hbm>>
      tpu.wait_dma2 semaphore(%run_scoped3A : memref<!tpu.dma_semaphore, #tpu.memory_space<semaphore_mem>>) src(%arg9 : memref<10240xf32, #tpu.memory_space<vmem>>) dst(%dma_wait3A_9 : memref<10240xf32, #tpu.memory_space<hbm>>)
      tpu.yield
    }) : () -> ()
    return
  }
}

#map = affine_map<(d0, d1) -> (0, 0, 0)>
#map1 = affine_map<(d0, d1) -> (0, 0)>
module attributes {stable_mosaic.version = 14 : i64} {
  func.func @body(%arg0: i32, %arg1: i32, %arg2: memref<32x80x128xi32, #tpu.memory_space<hbm>>, %arg3: memref<10240x128xf32, #tpu.memory_space<hbm>>, %arg4: memref<128x128xf32, #tpu.memory_space<hbm>>, %arg5: memref<2x10112x128xf32, #tpu.memory_space<hbm>>, %arg6: memref<10240x128xf32, #tpu.memory_space<vmem_shared>>, %arg7: memref<80x128xi32, #tpu.memory_space<vmem>>, %arg8: memref<128x128xf32, #tpu.memory_space<vmem>>, %arg9: memref<!tpu.dma_semaphore, #tpu.memory_space<semaphore_mem>>) attributes {dimension_semantics = [#tpu.dimension_semantics<core_parallel>, #tpu.dimension_semantics<subcore_parallel>], iteration_bounds = array<i64: 2, 16>, scalar_prefetch = 0 : i64, scratch_operands = 4 : i64, tpu.core_type = #tpu.core_type<sc_vector_subcore>, window_params = [{transform_indices = #map}, {transform_indices = #map1}, {transform_indices = #map1}, {transform_indices = #map}]} {
    %mul3A = arith.constant 2 : i32
    %mul3A_0 = arith.muli %arg1, %mul3A : i32
    %add3A = arith.addi %mul3A_0, %arg0 : i32
    %mul3A_1 = arith.constant 640 : i32
    %mul3A_2 = arith.muli %arg1, %mul3A_1 : i32
    "tpu.region"() ({
      %run_scoped3A = tpu.sem_alloc : memref<!tpu.dma_semaphore, #tpu.memory_space<semaphore_mem>>
      %dma_start3A = arith.constant 0 : i32
      %dma_start3A_11 = tpu.memref_slice %arg6[%mul3A_2, %dma_start3A] : memref<10240x128xf32, #tpu.memory_space<vmem_shared>> -> memref<640x128xf32, #tpu.memory_space<vmem_shared>>
      %dma_start3A_12 = arith.constant 0 : i32
      %dma_start3A_13 = tpu.memref_slice %arg3[%mul3A_2, %dma_start3A_12] : memref<10240x128xf32, #tpu.memory_space<hbm>> -> memref<640x128xf32, #tpu.memory_space<hbm>>
      tpu.enqueue_dma source(%dma_start3A_13 : memref<640x128xf32, #tpu.memory_space<hbm>>) target(%dma_start3A_11 : memref<640x128xf32, #tpu.memory_space<vmem_shared>>) target_semaphore(%run_scoped3A : memref<!tpu.dma_semaphore, #tpu.memory_space<semaphore_mem>>)
      %dma_wait3A = arith.constant 0 : i32
      %dma_wait3A_14 = tpu.memref_slice %arg6[%mul3A_2, %dma_wait3A] : memref<10240x128xf32, #tpu.memory_space<vmem_shared>> -> memref<640x128xf32, #tpu.memory_space<vmem_shared>>
      %dma_wait3A_15 = arith.constant 0 : i32
      %dma_wait3A_16 = tpu.memref_slice %arg3[%mul3A_2, %dma_wait3A_15] : memref<10240x128xf32, #tpu.memory_space<hbm>> -> memref<640x128xf32, #tpu.memory_space<hbm>>
      tpu.wait_dma2 semaphore(%run_scoped3A : memref<!tpu.dma_semaphore, #tpu.memory_space<semaphore_mem>>) src(%dma_wait3A_16 : memref<640x128xf32, #tpu.memory_space<hbm>>) dst(%dma_wait3A_14 : memref<640x128xf32, #tpu.memory_space<vmem_shared>>)
      tpu.yield
    }) : () -> ()
    "tpu.region"() ({
      %run_scoped3A = tpu.sem_alloc : memref<!tpu.dma_semaphore, #tpu.memory_space<semaphore_mem>>
      tpu.enqueue_dma source(%arg4 : memref<128x128xf32, #tpu.memory_space<hbm>>) target(%arg8 : memref<128x128xf32, #tpu.memory_space<vmem>>) target_semaphore(%run_scoped3A : memref<!tpu.dma_semaphore, #tpu.memory_space<semaphore_mem>>)
      tpu.wait_dma2 semaphore(%run_scoped3A : memref<!tpu.dma_semaphore, #tpu.memory_space<semaphore_mem>>) src(%arg4 : memref<128x128xf32, #tpu.memory_space<hbm>>) dst(%arg8 : memref<128x128xf32, #tpu.memory_space<vmem>>)
      tpu.yield
    }) : () -> ()
    "tpu.region"() ({
      %run_scoped3A = tpu.sem_alloc : memref<!tpu.dma_semaphore, #tpu.memory_space<semaphore_mem>>
      %dma_start3A = arith.constant 0 : i32
      %dma_start3A_11 = arith.constant 0 : i32
      %dma_start3A_12 = tpu.memref_slice %arg2[%add3A, %dma_start3A, %dma_start3A_11] : memref<32x80x128xi32, #tpu.memory_space<hbm>> -> memref<1x80x128xi32, #tpu.memory_space<hbm>>
      %dma_start3A_13 = tpu.memref_squeeze %dma_start3A_12 : memref<1x80x128xi32, #tpu.memory_space<hbm>> -> memref<80x128xi32, #tpu.memory_space<hbm>>
      %dma_start3A_14 = arith.constant 0 : i32
      %dma_start3A_15 = arith.constant 0 : i32
      %dma_start3A_16 = tpu.memref_slice %arg2[%add3A, %dma_start3A_14, %dma_start3A_15] : memref<32x80x128xi32, #tpu.memory_space<hbm>> -> memref<1x80x128xi32, #tpu.memory_space<hbm>>
      %dma_start3A_17 = tpu.memref_squeeze %dma_start3A_16 : memref<1x80x128xi32, #tpu.memory_space<hbm>> -> memref<80x128xi32, #tpu.memory_space<hbm>>
      tpu.enqueue_dma source(%dma_start3A_17 : memref<80x128xi32, #tpu.memory_space<hbm>>) target(%arg7 : memref<80x128xi32, #tpu.memory_space<vmem>>) target_semaphore(%run_scoped3A : memref<!tpu.dma_semaphore, #tpu.memory_space<semaphore_mem>>)
      %dma_wait3A = arith.constant 0 : i32
      %dma_wait3A_18 = arith.constant 0 : i32
      %dma_wait3A_19 = tpu.memref_slice %arg2[%add3A, %dma_wait3A, %dma_wait3A_18] : memref<32x80x128xi32, #tpu.memory_space<hbm>> -> memref<1x80x128xi32, #tpu.memory_space<hbm>>
      %dma_wait3A_20 = tpu.memref_squeeze %dma_wait3A_19 : memref<1x80x128xi32, #tpu.memory_space<hbm>> -> memref<80x128xi32, #tpu.memory_space<hbm>>
      %dma_wait3A_21 = arith.constant 0 : i32
      %dma_wait3A_22 = arith.constant 0 : i32
      %dma_wait3A_23 = tpu.memref_slice %arg2[%add3A, %dma_wait3A_21, %dma_wait3A_22] : memref<32x80x128xi32, #tpu.memory_space<hbm>> -> memref<1x80x128xi32, #tpu.memory_space<hbm>>
      %dma_wait3A_24 = tpu.memref_squeeze %dma_wait3A_23 : memref<1x80x128xi32, #tpu.memory_space<hbm>> -> memref<80x128xi32, #tpu.memory_space<hbm>>
      tpu.wait_dma2 semaphore(%run_scoped3A : memref<!tpu.dma_semaphore, #tpu.memory_space<semaphore_mem>>) src(%dma_wait3A_24 : memref<80x128xi32, #tpu.memory_space<hbm>>) dst(%arg7 : memref<80x128xi32, #tpu.memory_space<vmem>>)
      tpu.yield
    }) : () -> ()
    %barrier3A = arith.constant 0 : index
    tpu.barrier barrier_id(%barrier3A)
    %scan3A = arith.constant 0 : i32
    %scan3A_3 = arith.constant 0 : i32
    %scan3A_4 = arith.constant 80 : i32
    %scan3A_5 = arith.addi %scan3A_3, %scan3A_4 : i32
    %scan3A_6 = arith.constant 1 : i32
    scf.for %scan3A_11 = %scan3A_3 to %scan3A_5 step %scan3A_6  : i32 {
      "tpu.region"() ({
        %run_scoped3A = tpu.sem_alloc : memref<!tpu.dma_semaphore, #tpu.memory_space<semaphore_mem>>
        %dma_start3A = arith.constant 0 : i32
        %dma_start3A_12 = tpu.memref_slice %arg7[%scan3A_11, %dma_start3A] : memref<80x128xi32, #tpu.memory_space<vmem>> -> memref<1x128xi32, #tpu.memory_space<vmem>>
        %dma_start3A_13 = tpu.memref_squeeze %dma_start3A_12 : memref<1x128xi32, #tpu.memory_space<vmem>> -> memref<128xi32, #tpu.memory_space<vmem>>
        %dma_start3A_14 = arith.constant 0 : i32
        %dma_start3A_15 = arith.constant 0 : i32
        %dma_start3A_16 = tpu.memref_slice %arg6[%dma_start3A_14, %dma_start3A_15] : memref<10240x128xf32, #tpu.memory_space<vmem_shared>> -> memref<10240x128xf32, #tpu.memory_space<vmem_shared>>
        tpu.enqueue_indirect_dma source(%arg8 : memref<128x128xf32, #tpu.memory_space<vmem>>) target(%dma_start3A_16 : memref<10240x128xf32, #tpu.memory_space<vmem_shared>>) offsets(%dma_start3A_13 : memref<128xi32, #tpu.memory_space<vmem>>) semaphore(%run_scoped3A : memref<!tpu.dma_semaphore, #tpu.memory_space<semaphore_mem>>) {add = true}
        %dma_wait3A = arith.constant 0 : i32
        %dma_wait3A_17 = tpu.memref_slice %arg7[%scan3A_11, %dma_wait3A] : memref<80x128xi32, #tpu.memory_space<vmem>> -> memref<1x128xi32, #tpu.memory_space<vmem>>
        %dma_wait3A_18 = tpu.memref_squeeze %dma_wait3A_17 : memref<1x128xi32, #tpu.memory_space<vmem>> -> memref<128xi32, #tpu.memory_space<vmem>>
        %dma_wait3A_19 = arith.constant 0 : i32
        %dma_wait3A_20 = arith.constant 0 : i32
        %dma_wait3A_21 = tpu.memref_slice %arg6[%dma_wait3A_19, %dma_wait3A_20] : memref<10240x128xf32, #tpu.memory_space<vmem_shared>> -> memref<10240x128xf32, #tpu.memory_space<vmem_shared>>
        tpu.wait_indirect_dma semaphore(%run_scoped3A : memref<!tpu.dma_semaphore, #tpu.memory_space<semaphore_mem>>) src(%arg8 : memref<128x128xf32, #tpu.memory_space<vmem>>) dst(%dma_wait3A_21 : memref<10240x128xf32, #tpu.memory_space<vmem_shared>>)
        tpu.yield
      }) : () -> ()
    }
    %scan3A_7 = arith.constant 80 : i32
    %barrier3A_8 = arith.constant 0 : index
    tpu.barrier barrier_id(%barrier3A_8)
    %mul3A_9 = arith.constant 632 : i32
    %mul3A_10 = arith.muli %arg1, %mul3A_9 : i32
    "tpu.region"() ({
      %run_scoped3A = tpu.sem_alloc : memref<!tpu.dma_semaphore, #tpu.memory_space<semaphore_mem>>
      %dma_start3A = arith.constant 0 : i32
      %dma_start3A_11 = tpu.memref_slice %arg5[%arg0, %mul3A_10, %dma_start3A] : memref<2x10112x128xf32, #tpu.memory_space<hbm>> -> memref<1x632x128xf32, #tpu.memory_space<hbm>>
      %dma_start3A_12 = tpu.memref_squeeze %dma_start3A_11 : memref<1x632x128xf32, #tpu.memory_space<hbm>> -> memref<632x128xf32, #tpu.memory_space<hbm>>
      %dma_start3A_13 = arith.constant 0 : i32
      %dma_start3A_14 = tpu.memref_slice %arg6[%mul3A_10, %dma_start3A_13] : memref<10240x128xf32, #tpu.memory_space<vmem_shared>> -> memref<632x128xf32, #tpu.memory_space<vmem_shared>>
      tpu.enqueue_dma source(%dma_start3A_14 : memref<632x128xf32, #tpu.memory_space<vmem_shared>>) target(%dma_start3A_12 : memref<632x128xf32, #tpu.memory_space<hbm>>) target_semaphore(%run_scoped3A : memref<!tpu.dma_semaphore, #tpu.memory_space<semaphore_mem>>)
      %dma_wait3A = arith.constant 0 : i32
      %dma_wait3A_15 = tpu.memref_slice %arg5[%arg0, %mul3A_10, %dma_wait3A] : memref<2x10112x128xf32, #tpu.memory_space<hbm>> -> memref<1x632x128xf32, #tpu.memory_space<hbm>>
      %dma_wait3A_16 = tpu.memref_squeeze %dma_wait3A_15 : memref<1x632x128xf32, #tpu.memory_space<hbm>> -> memref<632x128xf32, #tpu.memory_space<hbm>>
      %dma_wait3A_17 = arith.constant 0 : i32
      %dma_wait3A_18 = tpu.memref_slice %arg6[%mul3A_10, %dma_wait3A_17] : memref<10240x128xf32, #tpu.memory_space<vmem_shared>> -> memref<632x128xf32, #tpu.memory_space<vmem_shared>>
      tpu.wait_dma2 semaphore(%run_scoped3A : memref<!tpu.dma_semaphore, #tpu.memory_space<semaphore_mem>>) src(%dma_wait3A_18 : memref<632x128xf32, #tpu.memory_space<vmem_shared>>) dst(%dma_wait3A_16 : memref<632x128xf32, #tpu.memory_space<hbm>>)
      tpu.yield
    }) : () -> ()
    return
  }
}

module attributes {stable_mosaic.version = 14 : i64} {
  func.func @body(%arg0: i32, %arg1: memref<1264x128xf32, #tpu.memory_space<vmem>>, %arg2: memref<1264x128xf32, #tpu.memory_space<vmem>>, %arg3: memref<1264x128xf32, #tpu.memory_space<vmem>>, %arg4: memref<1264x128xf32, #tpu.memory_space<vmem>>, %arg5: memref<1264x128xf32, #tpu.memory_space<vmem>>, %arg6: memref<128x128xf32, #tpu.memory_space<vmem>>, %arg7: memref<128x128xf32, #tpu.memory_space<vmem>>, %arg8: memref<1x128xf32, #tpu.memory_space<vmem>>, %arg9: memref<1264x128xf32, #tpu.memory_space<vmem>>) attributes {dimension_semantics = [#tpu.dimension_semantics<arbitrary>], iteration_bounds = array<i64: 8>, scalar_prefetch = 0 : i64, scratch_operands = 0 : i64, tpu.core_type = #tpu.core_type<tc>, window_params = [{transform_indices = @transform_0, window_bounds = array<i64: 1264, 128>}, {transform_indices = @transform_1, window_bounds = array<i64: 1264, 128>}, {transform_indices = @transform_2, window_bounds = array<i64: 1264, 128>}, {transform_indices = @transform_3, window_bounds = array<i64: 1264, 128>}, {transform_indices = @transform_4, window_bounds = array<i64: 1264, 128>}, {pipeline_mode = #tpu.pipeline_mode<synchronous>, transform_indices = @transform_5, window_bounds = array<i64: 128, 128>}, {pipeline_mode = #tpu.pipeline_mode<synchronous>, transform_indices = @transform_6, window_bounds = array<i64: 128, 128>}, {pipeline_mode = #tpu.pipeline_mode<synchronous>, transform_indices = @transform_7, window_bounds = array<i64: 1, 128>}, {transform_indices = @transform_8, window_bounds = array<i64: 1264, 128>}]} {
    %get3A = arith.constant 0 : index
    %get3A_0 = arith.constant 0 : index
    %get3A_1 = vector.load %arg4[%get3A, %get3A_0] : memref<1264x128xf32, #tpu.memory_space<vmem>>, vector<1264x1xf32>
    %get3A_2 = arith.constant 0 : index
    %get3A_3 = arith.constant 0 : index
    %get3A_4 = vector.load %arg5[%get3A_2, %get3A_3] : memref<1264x128xf32, #tpu.memory_space<vmem>>, vector<1264x1xf32>
    %add3A = arith.addf %get3A_1, %get3A_4 : vector<1264x1xf32>
    %max3A = arith.constant 1.000000e+00 : f32
    %max3A_5 = vector.broadcast %max3A : f32 to vector<1264x1xf32>
    %max3A_6 = arith.maximumf %add3A, %max3A_5 : vector<1264x1xf32>
    %div3A = arith.constant 1.000000e+00 : f32
    %div3A_7 = vector.broadcast %div3A : f32 to vector<1264x1xf32>
    %div3A_8 = arith.divf %div3A_7, %max3A_6 : vector<1264x1xf32>
    %get3A_9 = arith.constant 0 : index
    %get3A_10 = arith.constant 0 : index
    %get3A_11 = vector.load %arg2[%get3A_9, %get3A_10] : memref<1264x128xf32, #tpu.memory_space<vmem>>, vector<1264x128xf32>
    %get3A_12 = arith.constant 0 : index
    %get3A_13 = arith.constant 0 : index
    %get3A_14 = vector.load %arg3[%get3A_12, %get3A_13] : memref<1264x128xf32, #tpu.memory_space<vmem>>, vector<1264x128xf32>
    %add3A_15 = arith.addf %get3A_11, %get3A_14 : vector<1264x128xf32>
    %mul3A = vector.broadcast %div3A_8 : vector<1264x1xf32> to vector<1264x128xf32>
    %mul3A_16 = arith.mulf %add3A_15, %mul3A : vector<1264x128xf32>
    %get3A_17 = arith.constant 0 : index
    %get3A_18 = arith.constant 0 : index
    %get3A_19 = vector.load %arg1[%get3A_17, %get3A_18] : memref<1264x128xf32, #tpu.memory_space<vmem>>, vector<1264x128xf32>
    %get3A_20 = arith.constant 0 : index
    %get3A_21 = arith.constant 0 : index
    %get3A_22 = vector.load %arg6[%get3A_20, %get3A_21] : memref<128x128xf32, #tpu.memory_space<vmem>>, vector<128x128xf32>
    %dot_general3A = arith.constant dense<0.000000e+00> : vector<1264x128xf32>
    %dot_general3A_23 = tpu.matmul %get3A_19, %get3A_22, %dot_general3A {dimension_numbers = #tpu.dot_dimension_numbers<[1], [0], [0], [1], [0, 0, 1, 1], [], []>, transpose_lhs_hint = false} : vector<1264x128xf32>, vector<128x128xf32>, vector<1264x128xf32> -> vector<1264x128xf32>
    %get3A_24 = arith.constant 0 : index
    %get3A_25 = arith.constant 0 : index
    %get3A_26 = vector.load %arg7[%get3A_24, %get3A_25] : memref<128x128xf32, #tpu.memory_space<vmem>>, vector<128x128xf32>
    %dot_general3A_27 = arith.constant dense<0.000000e+00> : vector<1264x128xf32>
    %dot_general3A_28 = tpu.matmul %mul3A_16, %get3A_26, %dot_general3A_27 {dimension_numbers = #tpu.dot_dimension_numbers<[1], [0], [0], [1], [0, 0, 1, 1], [], []>, transpose_lhs_hint = false} : vector<1264x128xf32>, vector<128x128xf32>, vector<1264x128xf32> -> vector<1264x128xf32>
    %add3A_29 = arith.addf %dot_general3A_23, %dot_general3A_28 : vector<1264x128xf32>
    %get3A_30 = arith.constant 0 : index
    %get3A_31 = arith.constant 0 : index
    %get3A_32 = vector.load %arg8[%get3A_30, %get3A_31] : memref<1x128xf32, #tpu.memory_space<vmem>>, vector<1x128xf32>
    %add3A_33 = vector.broadcast %get3A_32 : vector<1x128xf32> to vector<1264x128xf32>
    %add3A_34 = arith.addf %add3A_29, %add3A_33 : vector<1264x128xf32>
    %max3A_35 = arith.constant 0.000000e+00 : f32
    %max3A_36 = vector.broadcast %max3A_35 : f32 to vector<1264x128xf32>
    %max3A_37 = arith.maximumf %add3A_34, %max3A_36 : vector<1264x128xf32>
    %swap3A = arith.constant 0 : index
    %swap3A_38 = arith.constant 0 : index
    %swap3A_39 = vector.load %arg9[%swap3A, %swap3A_38] : memref<1264x128xf32, #tpu.memory_space<vmem>>, vector<1264x128xf32>
    tpu.vector_store %arg9[%swap3A, %swap3A_38], %max3A_37 {strides = array<i32>} : memref<1264x128xf32, #tpu.memory_space<vmem>>, vector<1264x128xf32>,
    return
  }
  func.func @transform_0(%arg0: i32) -> (i32, i32) {
    %c0_i32 = arith.constant 0 : i32
    %c0_i32_0 = arith.constant 0 : i32
    return %arg0, %c0_i32 : i32, i32
  }
  func.func @transform_1(%arg0: i32) -> (i32, i32) {
    %c0_i32 = arith.constant 0 : i32
    %c0_i32_0 = arith.constant 0 : i32
    return %arg0, %c0_i32 : i32, i32
  }
  func.func @transform_2(%arg0: i32) -> (i32, i32) {
    %c0_i32 = arith.constant 0 : i32
    %c0_i32_0 = arith.constant 0 : i32
    return %arg0, %c0_i32 : i32, i32
  }
  func.func @transform_3(%arg0: i32) -> (i32, i32) {
    %c0_i32 = arith.constant 0 : i32
    %c0_i32_0 = arith.constant 0 : i32
    return %arg0, %c0_i32 : i32, i32
  }
  func.func @transform_4(%arg0: i32) -> (i32, i32) {
    %c0_i32 = arith.constant 0 : i32
    %c0_i32_0 = arith.constant 0 : i32
    return %arg0, %c0_i32 : i32, i32
  }
  func.func @transform_5(%arg0: i32) -> (i32, i32) {
    %c0_i32 = arith.constant 0 : i32
    %c0_i32_0 = arith.constant 0 : i32
    %c0_i32_1 = arith.constant 0 : i32
    return %c0_i32, %c0_i32_0 : i32, i32
  }
  func.func @transform_6(%arg0: i32) -> (i32, i32) {
    %c0_i32 = arith.constant 0 : i32
    %c0_i32_0 = arith.constant 0 : i32
    %c0_i32_1 = arith.constant 0 : i32
    return %c0_i32, %c0_i32_0 : i32, i32
  }
  func.func @transform_7(%arg0: i32) -> (i32, i32) {
    %c0_i32 = arith.constant 0 : i32
    %c0_i32_0 = arith.constant 0 : i32
    %c0_i32_1 = arith.constant 0 : i32
    return %c0_i32, %c0_i32_0 : i32, i32
  }
  func.func @transform_8(%arg0: i32) -> (i32, i32) {
    %c0_i32 = arith.constant 0 : i32
    %c0_i32_0 = arith.constant 0 : i32
    return %arg0, %c0_i32 : i32, i32
  }
}

module attributes {stable_mosaic.version = 14 : i64} {
  func.func @body(%arg0: i32, %arg1: memref<1264x128xf32, #tpu.memory_space<vmem>>, %arg2: memref<1264x128xf32, #tpu.memory_space<vmem>>, %arg3: memref<1264x128xf32, #tpu.memory_space<vmem>>, %arg4: memref<1264x128xf32, #tpu.memory_space<vmem>>, %arg5: memref<1264x128xf32, #tpu.memory_space<vmem>>, %arg6: memref<128x128xf32, #tpu.memory_space<vmem>>, %arg7: memref<128x128xf32, #tpu.memory_space<vmem>>, %arg8: memref<1x128xf32, #tpu.memory_space<vmem>>, %arg9: memref<128x2xf32, #tpu.memory_space<vmem>>, %arg10: memref<1x2xf32, #tpu.memory_space<vmem>>, %arg11: memref<1264x2xf32, #tpu.memory_space<vmem>>) attributes {dimension_semantics = [#tpu.dimension_semantics<arbitrary>], iteration_bounds = array<i64: 8>, scalar_prefetch = 0 : i64, scratch_operands = 0 : i64, tpu.core_type = #tpu.core_type<tc>, window_params = [{transform_indices = @transform_0, window_bounds = array<i64: 1264, 128>}, {transform_indices = @transform_1, window_bounds = array<i64: 1264, 128>}, {transform_indices = @transform_2, window_bounds = array<i64: 1264, 128>}, {transform_indices = @transform_3, window_bounds = array<i64: 1264, 128>}, {transform_indices = @transform_4, window_bounds = array<i64: 1264, 128>}, {pipeline_mode = #tpu.pipeline_mode<synchronous>, transform_indices = @transform_5, window_bounds = array<i64: 128, 128>}, {pipeline_mode = #tpu.pipeline_mode<synchronous>, transform_indices = @transform_6, window_bounds = array<i64: 128, 128>}, {pipeline_mode = #tpu.pipeline_mode<synchronous>, transform_indices = @transform_7, window_bounds = array<i64: 1, 128>}, {pipeline_mode = #tpu.pipeline_mode<synchronous>, transform_indices = @transform_8, window_bounds = array<i64: 128, 2>}, {pipeline_mode = #tpu.pipeline_mode<synchronous>, transform_indices = @transform_9, window_bounds = array<i64: 1, 2>}, {transform_indices = @transform_10, window_bounds = array<i64: 1264, 2>}]} {
    %get3A = arith.constant 0 : index
    %get3A_0 = arith.constant 0 : index
    %get3A_1 = vector.load %arg4[%get3A, %get3A_0] : memref<1264x128xf32, #tpu.memory_space<vmem>>, vector<1264x1xf32>
    %get3A_2 = arith.constant 0 : index
    %get3A_3 = arith.constant 0 : index
    %get3A_4 = vector.load %arg5[%get3A_2, %get3A_3] : memref<1264x128xf32, #tpu.memory_space<vmem>>, vector<1264x1xf32>
    %add3A = arith.addf %get3A_1, %get3A_4 : vector<1264x1xf32>
    %max3A = arith.constant 1.000000e+00 : f32
    %max3A_5 = vector.broadcast %max3A : f32 to vector<1264x1xf32>
    %max3A_6 = arith.maximumf %add3A, %max3A_5 : vector<1264x1xf32>
    %div3A = arith.constant 1.000000e+00 : f32
    %div3A_7 = vector.broadcast %div3A : f32 to vector<1264x1xf32>
    %div3A_8 = arith.divf %div3A_7, %max3A_6 : vector<1264x1xf32>
    %get3A_9 = arith.constant 0 : index
    %get3A_10 = arith.constant 0 : index
    %get3A_11 = vector.load %arg2[%get3A_9, %get3A_10] : memref<1264x128xf32, #tpu.memory_space<vmem>>, vector<1264x128xf32>
    %get3A_12 = arith.constant 0 : index
    %get3A_13 = arith.constant 0 : index
    %get3A_14 = vector.load %arg3[%get3A_12, %get3A_13] : memref<1264x128xf32, #tpu.memory_space<vmem>>, vector<1264x128xf32>
    %add3A_15 = arith.addf %get3A_11, %get3A_14 : vector<1264x128xf32>
    %mul3A = vector.broadcast %div3A_8 : vector<1264x1xf32> to vector<1264x128xf32>
    %mul3A_16 = arith.mulf %add3A_15, %mul3A : vector<1264x128xf32>
    %get3A_17 = arith.constant 0 : index
    %get3A_18 = arith.constant 0 : index
    %get3A_19 = vector.load %arg1[%get3A_17, %get3A_18] : memref<1264x128xf32, #tpu.memory_space<vmem>>, vector<1264x128xf32>
    %get3A_20 = arith.constant 0 : index
    %get3A_21 = arith.constant 0 : index
    %get3A_22 = vector.load %arg6[%get3A_20, %get3A_21] : memref<128x128xf32, #tpu.memory_space<vmem>>, vector<128x128xf32>
    %dot_general3A = arith.constant dense<0.000000e+00> : vector<1264x128xf32>
    %dot_general3A_23 = tpu.matmul %get3A_19, %get3A_22, %dot_general3A {dimension_numbers = #tpu.dot_dimension_numbers<[1], [0], [0], [1], [0, 0, 1, 1], [], []>, transpose_lhs_hint = false} : vector<1264x128xf32>, vector<128x128xf32>, vector<1264x128xf32> -> vector<1264x128xf32>
    %get3A_24 = arith.constant 0 : index
    %get3A_25 = arith.constant 0 : index
    %get3A_26 = vector.load %arg7[%get3A_24, %get3A_25] : memref<128x128xf32, #tpu.memory_space<vmem>>, vector<128x128xf32>
    %dot_general3A_27 = arith.constant dense<0.000000e+00> : vector<1264x128xf32>
    %dot_general3A_28 = tpu.matmul %mul3A_16, %get3A_26, %dot_general3A_27 {dimension_numbers = #tpu.dot_dimension_numbers<[1], [0], [0], [1], [0, 0, 1, 1], [], []>, transpose_lhs_hint = false} : vector<1264x128xf32>, vector<128x128xf32>, vector<1264x128xf32> -> vector<1264x128xf32>
    %add3A_29 = arith.addf %dot_general3A_23, %dot_general3A_28 : vector<1264x128xf32>
    %get3A_30 = arith.constant 0 : index
    %get3A_31 = arith.constant 0 : index
    %get3A_32 = vector.load %arg8[%get3A_30, %get3A_31] : memref<1x128xf32, #tpu.memory_space<vmem>>, vector<1x128xf32>
    %add3A_33 = vector.broadcast %get3A_32 : vector<1x128xf32> to vector<1264x128xf32>
    %add3A_34 = arith.addf %add3A_29, %add3A_33 : vector<1264x128xf32>
    %get3A_35 = arith.constant 0 : index
    %get3A_36 = arith.constant 0 : index
    %get3A_37 = vector.load %arg9[%get3A_35, %get3A_36] : memref<128x2xf32, #tpu.memory_space<vmem>>, vector<128x2xf32>
    %dot_general3A_38 = arith.constant dense<0.000000e+00> : vector<1264x2xf32>
    %dot_general3A_39 = tpu.matmul %add3A_34, %get3A_37, %dot_general3A_38 {dimension_numbers = #tpu.dot_dimension_numbers<[1], [0], [0], [1], [0, 0, 1, 1], [], []>, transpose_lhs_hint = false} : vector<1264x128xf32>, vector<128x2xf32>, vector<1264x2xf32> -> vector<1264x2xf32>
    %get3A_40 = arith.constant 0 : index
    %get3A_41 = arith.constant 0 : index
    %get3A_42 = vector.load %arg10[%get3A_40, %get3A_41] : memref<1x2xf32, #tpu.memory_space<vmem>>, vector<1x2xf32>
    %add3A_43 = vector.broadcast %get3A_42 : vector<1x2xf32> to vector<1264x2xf32>
    %add3A_44 = arith.addf %dot_general3A_39, %add3A_43 : vector<1264x2xf32>
    %swap3A = arith.constant 0 : index
    %swap3A_45 = arith.constant 0 : index
    %swap3A_46 = vector.load %arg11[%swap3A, %swap3A_45] : memref<1264x2xf32, #tpu.memory_space<vmem>>, vector<1264x2xf32>
    tpu.vector_store %arg11[%swap3A, %swap3A_45], %add3A_44 {strides = array<i32>} : memref<1264x2xf32, #tpu.memory_space<vmem>>, vector<1264x2xf32>,
    return
  }
  func.func @transform_0(%arg0: i32) -> (i32, i32) {
    %c0_i32 = arith.constant 0 : i32
    %c0_i32_0 = arith.constant 0 : i32
    return %arg0, %c0_i32 : i32, i32
  }
  func.func @transform_1(%arg0: i32) -> (i32, i32) {
    %c0_i32 = arith.constant 0 : i32
    %c0_i32_0 = arith.constant 0 : i32
    return %arg0, %c0_i32 : i32, i32
  }
  func.func @transform_2(%arg0: i32) -> (i32, i32) {
    %c0_i32 = arith.constant 0 : i32
    %c0_i32_0 = arith.constant 0 : i32
    return %arg0, %c0_i32 : i32, i32
  }
  func.func @transform_3(%arg0: i32) -> (i32, i32) {
    %c0_i32 = arith.constant 0 : i32
    %c0_i32_0 = arith.constant 0 : i32
    return %arg0, %c0_i32 : i32, i32
  }
  func.func @transform_4(%arg0: i32) -> (i32, i32) {
    %c0_i32 = arith.constant 0 : i32
    %c0_i32_0 = arith.constant 0 : i32
    return %arg0, %c0_i32 : i32, i32
  }
  func.func @transform_5(%arg0: i32) -> (i32, i32) {
    %c0_i32 = arith.constant 0 : i32
    %c0_i32_0 = arith.constant 0 : i32
    %c0_i32_1 = arith.constant 0 : i32
    return %c0_i32, %c0_i32_0 : i32, i32
  }
  func.func @transform_6(%arg0: i32) -> (i32, i32) {
    %c0_i32 = arith.constant 0 : i32
    %c0_i32_0 = arith.constant 0 : i32
    %c0_i32_1 = arith.constant 0 : i32
    return %c0_i32, %c0_i32_0 : i32, i32
  }
  func.func @transform_7(%arg0: i32) -> (i32, i32) {
    %c0_i32 = arith.constant 0 : i32
    %c0_i32_0 = arith.constant 0 : i32
    %c0_i32_1 = arith.constant 0 : i32
    return %c0_i32, %c0_i32_0 : i32, i32
  }
  func.func @transform_8(%arg0: i32) -> (i32, i32) {
    %c0_i32 = arith.constant 0 : i32
    %c0_i32_0 = arith.constant 0 : i32
    %c0_i32_1 = arith.constant 0 : i32
    return %c0_i32, %c0_i32_0 : i32, i32
  }
  func.func @transform_9(%arg0: i32) -> (i32, i32) {
    %c0_i32 = arith.constant 0 : i32
    %c0_i32_0 = arith.constant 0 : i32
    %c0_i32_1 = arith.constant 0 : i32
    return %c0_i32, %c0_i32_0 : i32, i32
  }
  func.func @transform_10(%arg0: i32) -> (i32, i32) {
    %c0_i32 = arith.constant 0 : i32
    %c0_i32_0 = arith.constant 0 : i32
    return %arg0, %c0_i32 : i32, i32
  }
}

</mosaic_0001>

<sc_bundles>
// kernel: kernel.11.cloned.1.call-start
scs
__scs_entry_jumppad:
0x0: {  	(pc) =	sbr.rel $0x88, $3  }
0x1: {  	(tag) =	ssettag $0x0;
	lr =	simm.s32 $0x1  }
0x2: {  	[smem:$0x3F95] =	sst lr;
	_ =	strace $0xD0000000  }
0x3: {  	_ = 	snop  }
0x4: {  	_ = 	snop  }
0x5: {  	_ = 	snop  }
0x6: {  	_ = 	snop  }
0x7: {  	_ = 	snop  }
__scs_overlays_trampoline_lowered:
0x8: {  	[smem:$0x3FA4] =	sst s0  }
0x9: {  	[smem:$0x3FA5] =	sst s1  }
0xa: {  	[smem:$0x3FA6] =	sst s2  }
0xb: {  	[smem:$0x3FA7] =	sst s3  }
0xc: {  	[smem:$0x3FA8] =	sst s4  }
0xd: {  	[smem:$0x3FA9] =	sst s5  }
0xe: {  	[smem:$0x3FAA] =	sst s6  }
0xf: {  	[smem:$0x3FAB] =	sst s7  }
0x10: {  	[smem:$0x3FAC] =	sst s8  }
0x11: {  	[smem:$0x3FAD] =	sst s9;
	s0 =	simm.s32 @!p0 $0x0  }
0x12: {  	s1 =	sld [smem:$0x3F93];
	s0 =	simm.s32 @p0 $0x1  }
0x13: {  	[smem:$0x3FAE] =	sst s0;
	s0 =	simm.s32 @!p1 $0x0  }
0x14: {  	s2 =	sld [smem:$0x3F92];
	s0 =	simm.s32 @p1 $0x1  }
0x15: {  	[smem:$0x3FAF] =	sst s0;
	s0 =	simm.s32 @!p2 $0x0  }
0x16: {  	s3 =	sld [smem:$0x3FDB];
	s0 =	simm.s32 @p2 $0x1  }
0x17: {  	s4 =	simm.s32 $0x1BF5;
	[smem:$0x3FB1] =	sst s0  }
0x18: {  	s0 =	sld [smem:$0x3F94];
	_ =	swait.ge [sflag:s4], $0x0  }
0x19: {  	s7 =	sld [smem:$0x3F95]  }
0x1a: {  	s8 =	sadd.s32 $0xFFFFE003, lr  }
0x1b: {  	s9 =	sadd.s32 $0xFFFFFEF7, lr;
	s5 =	simm.s32 $0xFFFFFFFF;
	p2 =	slt.u32 s8, $0xFFFFF086  }
0x1c: {  	p1 =	slt.u32 s9, $0xF7A;
	s5 =	simm.s32 @!p2 $0x0  }
0x1d: {  	s5 =	simm.s32 @p1 $0x1;
	p0 =	seq.s32 s7, s2  }
0x1e: {  	s7 =	smul.u32 @!p0 $0xF7A, s2;
	p2 =	seq.s32 @!p0 s5, $0x0  }
0x1f: {  	s9 =	smul.u32 $0xF7A, s1;
	s8 =	simm.s32 @!p0 $0x1BF5;
	p2 =	por !p2, p0  }
0x20: {  	[sflag:s8] =	ssyncset.s32 @!p0 $0xFFFFF086;
	s6 =	sadd.s32 @!p0 s3, s7;
	s7 =	simm.s32 @!p0 $0x108  }
0x21: {  	s3 =	sadd.s32 s3, s9;
	s6 =	sadd.s32 @!p0 $0x88, s6;
	s7 =	simm.s32 @p2 $0x1082  }
0x22: {  	[simem:s7], [sflag:s8] =	dma.local @!p0 [hbm:s6], $0xF7A  }
0x23: {  	s9 =	sor.u32 $0xD0000000, s2;
	s6 =	simm.s32 $0x108;
	_ =	swait.ge @!p0 [sflag:s8], $0x0  }
0x24: {  	s3 =	sadd.s32 $0x88, s3;
	s6 =	simm.s32 @!p1 $0x1082;
	[sflag:s4] =	ssyncset.s32 $0xFFFFF086  }
0x25: {  	[simem:s6], [sflag:s4] =	dma.local [hbm:s3], $0xF7A  }
0x26: {  	[smem:$0x3F95] =	sst s1;
	(tag) =	ssettag s2;
	_ =	strace s9  }
0x27: {  	s1 =	sld [smem:$0x3FA5]  }
0x28: {  	s2 =	sld [smem:$0x3FA6]  }
0x29: {  	s4 =	sld [smem:$0x3FA8]  }
0x2a: {  	p0 =	seq.s32 s5, $0x0;
	s5 =	sld [smem:$0x3FA9]  }
0x2b: {  	s6 =	sld [smem:$0x3FAA]  }
0x2c: {  	s7 =	sld [smem:$0x3FAB]  }
0x2d: {  	s3 =	simm.s32 $0x108;
	s8 =	sld [smem:$0x3FAC]  }
0x2e: {  	s3 =	simm.s32 @!p0 $0x1082;
	s9 =	sld [smem:$0x3FAD]  }
0x2f: {  	lr =	sadd.s32 s0, s3;
	s0 =	sld [smem:$0x3FA4]  }
0x30: {  	s3 =	sld [smem:$0x3FA7]  }
0x31: {  	[smem:$0x3FB0] =	sst s10  }
0x32: {  	s10 =	sld [smem:$0x3FAE];
	_ =	sdelay $0x3  }
0x33: {  	p0 =	seq.s32 s10, $0x1;
	s10 =	sld [smem:$0x3FB0];
	_ =	sdelay $0x3  }
0x34: {  	[smem:$0x3FB0] =	sst s10  }
0x35: {  	s10 =	sld [smem:$0x3FAF];
	_ =	sdelay $0x3  }
0x36: {  	p1 =	seq.s32 s10, $0x1;
	s10 =	sld [smem:$0x3FB0];
	_ =	sdelay $0x3  }
0x37: {  	[smem:$0x3FB0] =	sst s10  }
0x38: {  	s10 =	sld [smem:$0x3FB1]  }
0x39: {  	_ = 	snop;
	(pc) =	sbr.ind lr, $3  }
0x3a: {  	_ = 	snop  }
0x3b: {  	_ = 	snop  }
0x3c: {  	p2 =	seq.s32 s10, $0x1;
	s10 =	sld [smem:$0x3FB0]  }
0x3d: {  	_ =	shalt  }
0x3e: {  	_ =	shalt  }
0x3f: {  	_ =	shalt  }
0x40: {  	_ =	shalt  }
0x41: {  	_ =	shalt  }
0x42: {  	_ =	shalt  }
0x43: {  	_ =	shalt  }
0x44: {  	_ =	shalt  }
0x45: {  	_ =	shalt  }
0x46: {  	_ =	shalt  }
0x47: {  	_ =	shalt  }
0x48: {  	_ =	shalt  }
0x49: {  	_ =	shalt  }
0x4a: {  	_ =	shalt  }
0x4b: {  	_ =	shalt  }
0x4c: {  	_ =	shalt  }
0x4d: {  	_ =	shalt  }
0x4e: {  	_ =	shalt  }
0x4f: {  	_ =	shalt  }
0x50: {  	_ =	shalt  }
0x51: {  	_ =	shalt  }
0x52: {  	_ =	shalt  }
0x53: {  	_ =	shalt  }
0x54: {  	_ =	shalt  }
0x55: {  	_ =	shalt  }
0x56: {  	_ =	shalt  }
0x57: {  	_ =	shalt  }
0x58: {  	_ =	shalt  }
0x59: {  	_ =	shalt  }
0x5a: {  	_ =	shalt  }
0x5b: {  	_ =	shalt  }
0x5c: {  	_ =	shalt  }
0x5d: {  	_ =	shalt  }
0x5e: {  	_ =	shalt  }
0x5f: {  	_ =	shalt  }
0x60: {  	_ =	shalt  }
0x61: {  	_ =	shalt  }
0x62: {  	_ =	shalt  }
0x63: {  	_ =	shalt  }
0x64: {  	_ =	shalt  }
0x65: {  	_ =	shalt  }
0x66: {  	_ =	shalt  }
0x67: {  	_ =	shalt  }
0x68: {  	_ =	shalt  }
0x69: {  	_ =	shalt  }
0x6a: {  	_ =	shalt  }
0x6b: {  	_ =	shalt  }
0x6c: {  	_ =	shalt  }
0x6d: {  	_ =	shalt  }
0x6e: {  	_ =	shalt  }
0x6f: {  	_ =	shalt  }
0x70: {  	_ =	shalt  }
0x71: {  	_ =	shalt  }
0x72: {  	_ =	shalt  }
0x73: {  	_ =	shalt  }
0x74: {  	_ =	shalt  }
0x75: {  	_ =	shalt  }
0x76: {  	_ =	shalt  }
0x77: {  	_ =	shalt  }
0x78: {  	_ =	shalt  }
0x79: {  	_ =	shalt  }
0x7a: {  	_ =	shalt  }
0x7b: {  	_ =	shalt  }
0x7c: {  	_ =	shalt  }
0x7d: {  	_ =	shalt  }
0x7e: {  	_ =	shalt  }
0x7f: {  	_ =	shalt  }
0x80: {  	_ =	shalt  }
0x81: {  	_ =	shalt  }
0x82: {  	_ =	shalt  }
0x83: {  	_ =	shalt  }
0x84: {  	_ =	shalt  }
0x85: {  	_ =	shalt  }
0x86: {  	_ =	shalt  }
0x87: {  	_ =	shalt  }
.Lfunc_end0:
.L_simem_size_0:
called_computation.1_lowered:
.L_overlay_start_0:
0x88: {  	s2 =	sld [smem:$0x3FD9]  }
0x89: {  	s3 =	sld [smem:$0x3FFE];
	_ =	sdelay $0x1  }
0x8a: {  	s1 =	srdreg.scid  }
0x8b: {  	s0 =	sand.u32 $0x1, s1  }
0x8c: {  	s17 =	sshll.u32 s0, $0xA;
	s2 =	sadd.s32 s3, s2  }
0x8d: {  	s2 =	sadd.s32 s2, s17  }
0x8e: {  	[smem:$0x3FBC] =	sst s2  }
0x8f: {  	_ = 	snop  }
0x90: {  	s2 =	sld [smem:$0x3FC9];
	(tm) =	ssettm $0x1  }
0x91: {  	s18 =	sld [smem:$0x3FFB];
	_ =	sdelay $0x3  }
0x92: {  	_ =	strace s18  }
0x93: {  	s3 =	sld [smem:$0x3FFC];
	_ =	sdelay $0x3  }
0x94: {  	_ =	strace s3  }
0x95: {  	s3 =	sld [smem:$0x3FFD];
	_ =	sdelay $0x3  }
0x96: {  	_ =	strace s3  }
0x97: {  	_ =	strace $0x8FFFFFFF  }
0x98: {  	s19 =	sld [smem:$0x3FDB];
	_ =	sdelay $0x1  }
0x99: {  	s4 =	simm.s32 $_scs_section_size  }
0x9a: {  	s5 =	simm.s32 $_size__tile_overlayer_lowered;
	s6 =	simm.s32 $_tile_overlayer_lowered  }
0x9b: {  	s22 =	simm.s32 $0x1BFF;
	s21 =	sshll.u32 s6, $0x1;
	s3 =	sadd.s32 s4, s19  }
0x9c: {  	s7 =	simm.s32 $0x0;
	s20 =	sshll.u32 s5, $0x1;
	s5 =	sadd.s32 s21, s3  }
0x9d: {  	[timem:s7], [sflag:s22] =	dma.local [hbm:s5], s20  }
0x9e: {  	_ =	swait.ge [sflag:s22], s20  }
0x9f: {  	s4 =	ssub.s32 $0x0, s20;
	[sflag:s22] =	ssyncset.done $0x0  }
0xa0: {  	[sflag:s22] =	ssyncadd.s32 s4;
	_ =	sdelay $0x1  }
0xa1: {  	s23 =	simm.s32 $0x1B8B  }
0xa2: {  	_ =	swait.ge [sflag:s23], $0x1  }
0xa3: {  	[sflag:s23] =	ssyncset.done $0x0  }
0xa4: {  	s25 =	simm.s32 $0x1B8E;
	s24 =	sld [smem:$0x3FFE];
	[sflag:s23] =	ssyncadd.s32 $0xFFFFFFFF  }
0xa5: {  	s26 =	simm.s32 $execute0_lowered;
	[smem:$0x3FD2] =	sst s25  }
0xa6: {  	s5 =	sshll.u32 s26, $0x1;
	_ =	strace $0x80000046;
	[dreg:$0x1] =	wrdreg $0xFFFFFFFF  }
0xa7: {  	s28 =	simm.s32 $_size_execute0_lowered;
	s3 =	sadd.s32 s3, s5;
	[dreg:$0x0] =	wrdreg $0x0  }
0xa8: {  	s5 =	sshll.u32 s28, $0x1;
	[dreg:$0x2] =	wrdreg s3  }
0xa9: {  	[dreg:$0x3] =	wrdreg s5  }
0xaa: {  	[dreg:$0x4] =	wrdreg $0xC0  }
0xab: {  	_ =	task [dreg:s7], $0x5FFFF  }
0xac: {  	[dreg:$0x1] =	wrdreg $0xFFFFFFFF  }
0xad: {  	[dreg:$0x0] =	wrdreg $0x60  }
0xae: {  	[dreg:$0x2] =	wrdreg s2  }
0xaf: {  	[dreg:$0x3] =	wrdreg s24  }
0xb0: {  	[dreg:$0x4] =	wrdreg $0x0  }
0xb1: {  	[dreg:$0x5] =	wrdreg $0xA  }
0xb2: {  	_ =	task.clear_ibuf [dreg:s7], $0x6FFFF;
	_ =	strace $0x90000046  }
0xb3: {  	s29 =	simm.s32 $0xA;
	_ =	strace $0x80000048  }
0xb4: {  	_ =	swait.ge [sflag:s29], $0x1  }
0xb5: {  	[sflag:s29] =	ssyncadd.s32 $0xFFFFFFFF  }
0xb6: {  	_ =	strace $0x90000048  }
0xb7: {  	_ =	sfence  }
0xb8: {  	s30 =	sld [smem:$0x0];
	_ =	sdelay $0x2  }
0xb9: {  	s31 =	sshll.u32 s1, $0xD;
	s1 =	sshrl.u32 s1, $0x2  }
0xba: {  	s3 =	sand.u32 $0x4000, s31;
	s1 =	sadd.s32 s1, s30  }
0xbb: {  	s0 =	sor.u32 s3, s0;
	s1 =	sshll.u32 s1, $0x11  }
0xbc: {  	s0 =	sor.u32 s1, s0  }
0xbd: {  	s0 =	sadd.s32 $0x8F2B, s0  }
0xbe: {  	[sflag:s0] =	ssyncadd.remote.s32 $0x1  }
0xbf: {  	_ =	sfence.sel $0xFFFF  }
0xc0: {  	[dreg:$0x0] =	wrdreg $0xFFFFFFFF;
	(pc) =	sbr.abs _section_cstart, $3  }
0xc1: {  	[dreg:$0x1] =	wrdreg $0xFFFFFFFF  }
0xc2: {  	_ =	task.clear_ibuf [dreg:s7], $0x2FFFF;
	_ =	strace $0x9FFFFFFF  }
0xc3: {  	(tm) =	ssettm $0x7FFFFFFF  }
tec
execute0_lowered:
.L_overlay_start_1:
0x0: {  	(tag) =	ssettag $0x1  }
0x1: {  	s1 =	rddreg [dreg:$0x0]  }
0x2: {  	s0 =	srdreg.scid;
	s7 =	rddreg [dreg:$0x1]  }
0x3: {  	s13 =	stileid.u32;
	s3 =	rddreg [dreg:$0x2];
	s5 =	simm.s32 $0x0  }
0x4: {  	s15 =	simm.s32 $0x3;
	s16 =	simm.s32 $0x14000;
	s17 =	simm.s32 $0x80  }
0x5: {  	s18 =	simm.s32 $0x16900;
	s19 =	simm.s32 $0x14080;
	s20 =	simm.s32 $0x1  }
0x6: {  	s21 =	simm.s32 $0x1A900;
	s22 =	simm.s32 $0x2;
	s8 =	smul.u32 $0x13C00, s13  }
0x7: {  	s24 =	simm.s32 $0x16880;
	s0 =	sand.u32 $0x1, s0;
	s11 =	smul.u32 $0x2800, s13  }
0x8: {  	s2 =	sshll.u32 s13, $0x1;
	[smem:$0x7FF] =	sst s5;
	s26 =	smul.u32 $0x50000, s13  }
0x9: {  	s6 =	sadd.s32 $0x3600, s7;
	s12 =	smul.u32 $0x4F000, s13;
	s30 =	sshll.u32 s13, $0x6  }
0xa: {  	s2 =	sor.u32 s0, s2;
	s25 =	smul.u32 $0x13C000, s0;
	_ =	strace $0x80000047  }
0xb: {  	s0 =	ssub.s32 $0x2, s0;
	s4 =	smul.u32 $0x2800, s2;
	s11 =	sadd.s32 s11, s7  }
0xc: {  	s28 =	sshrl.u32 s0, $0x1;
	s29 =	sshrl.u32 s26, $0x2;
	s12 =	sshrl.u32 s12, $0x2  }
0xd: {  	s26 =	simm.s32 $0x0;
	s2 =	sadd.s32 s8, s25;
	s0 =	ssub.s32 s0, s28  }
0xe: {  	s14 =	sadd.s32 s29, s3;
	s8 =	sor.u32 $0x1C03, s30;
	s31 =	sadd.s32 s12, s3  }
0xf: {  	s10 =	sshrl.u32 s4, $0x3;
	s2 =	sshrl.u32 s2, $0x3;
	s12 =	smax.u32 s0, $0x1  }
0x10: {  	s14 =	sshrl.u32 s14, $0x3;
	s25 =	sshrl.u32 s31, $0x3;
	s9 =	sadd.s32 s10, s7  }
0x11: {  	s2 =	sadd.s32 s2, s7;
	s7 =	sadd.s32 $0x17600, s11;
	s10 =	sadd.s32 s6, s10  }
0x12: {  	s9 =	sadd.s32 $0xD600, s9;
	s11 =	sadd.s32 $0x3F600, s2;
	s13 =	sadd.s32 $0x4F0, s10  }
.LBB2_1:
0x13: {  	[spmem:s14], [sflag:s8] =	dma.local [hbm:s7], $0x2800  }
0x14: {  	_ =	swait.ge [sflag:s15], $0x2800  }
0x15: {  	[sflag:s15] =	ssyncset.done $0x0  }
0x16: {  	s28 =	simm.s32 $0x14100;
	[sflag:s15] =	ssyncadd.s32 $0xFFFFD800  }
0x17: {  	[tilespmem:s28], [sflag:$0x3] =	stream.linear.gather [hbm4b:s9+s5], $0x2800, $0x38;
	[tilespmem:$0x1E900] =	vst v63  }
0x18: {  	_ =	swait.ge [sflag:s15], $0x2800  }
0x19: {  	[sflag:s15] =	ssyncset.done $0x0  }
0x1a: {  	s0 =	simm.s32 $0x0;
	[sflag:s15] =	ssyncadd.s32 $0xFFFFD800  }
0x1b: {  	s2 =	simm.s32 $0x80;
	s0 =	sand.u32 $0x3C00, s0;
	[bflag:$0x0] =	sbarrier.arrive $0xFFFF  }
0x1c: {  	[tilespmem:s16], [sflag:$0x3] =	stream.linear.gather [hbm4b:s10+s5], $0x80, $0x38;
	[tilespmem:$0x1E900] =	vst v63  }
0x1d: {  	s2 =	sand.u32 $0x380, s2;
	s0 =	sadd.s32 s4, s0;
	_ =	swait.ge [sflag:s15], $0x80  }
0x1e: {  	s0 =	sor.u32 s0, s2;
	[sflag:s15] =	ssyncset.done $0x0  }
0x1f: {  	s0 =	sshrl.u32 s0, $0x3;
	[sflag:s15] =	ssyncadd.s32 $0xFFFFFF80  }
0x20: {  	[tilespmem:s18], [sflag:$0x1] =	stream.indirect.gather [hbm4b:s1+s17], $0x80, s16, s17, $0xb8;
	[tilespmem:$0x1E900] =	vst v63  }
0x21: {  	s0 =	sadd.s32 s6, s0  }
0x22: {  	[tilespmem:s19], [sflag:$0x3] =	stream.linear.gather [hbm4b:s0+s5], $0x80, $0x38;
	[tilespmem:$0x1E900] =	vst v63  }
0x23: {  	_ =	swait.ge [sflag:s15], $0x80  }
0x24: {  	[sflag:s15] =	ssyncset.done $0x0  }
0x25: {  	[sflag:s15] =	ssyncadd.s32 $0xFFFFFF80  }
0x26: {  	_ =	swait.ge [sflag:s20], $0x4000  }
0x27: {  	s0 =	simm.s32 $0x100;
	[sflag:s20] =	ssyncset.done $0x0  }
0x28: {  	s23 =	sand.u32 $0x7C00, s0;
	[sflag:s20] =	ssyncadd.s32 $0xFFFFC000  }
0x29: {  	[tilespmem:s21], [sflag:$0x2] =	stream.indirect.gather [hbm4b:s1+s17], $0x80, s19, s17, $0xb8;
	[tilespmem:$0x1E900] =	vst v63  }
0x2a: {  	s0 =	sand.u32 $0x300, s0;
	s2 =	sadd.s32 s4, s23  }
0x2b: {  	[spmem:s3] =	stream.indirect.scatter.add.f32 [tilespmem:s18], [sflag:$0x3], $0x80, s28, s17, $0xb8;
	[tilespmem:$0x1E900] =	vst v63  }
0x2c: {  	s0 =	sor.u32 s0, s2;
	_ =	swait.ge [sflag:s15], $0x4000  }
0x2d: {  	s0 =	sshrl.u32 s0, $0x3;
	[sflag:s15] =	ssyncset.done $0x0  }
0x2e: {  	s0 =	sadd.s32 s6, s0;
	[sflag:s15] =	ssyncadd.s32 $0xFFFFC000  }
0x2f: {  	[tilespmem:s16], [sflag:$0x3] =	stream.linear.gather [hbm4b:s0+s5], $0x80, $0x38;
	[tilespmem:$0x1E900] =	vst v63  }
0x30: {  	_ =	swait.ge [sflag:s15], $0x80  }
0x31: {  	s30 =	simm.s32 $0x200;
	s31 =	simm.s32 $0x300;
	[sflag:s15] =	ssyncset.done $0x0  }
0x32: {  	s29 =	simm.s32 $0x14200;
	s2 =	simm.s32 $0x100;
	[sflag:s15] =	ssyncadd.s32 $0xFFFFFF80  }
0x33: {  	s23 =	simm.s32 $0x180;
	s0 =	sand.u32 $0x3C00, s2;
	_ =	swait.ge [sflag:s22], $0x4000  }
0x34: {  	s23 =	sand.u32 $0x380, s23;
	s2 =	sadd.s32 s4, s0;
	[sflag:s22] =	ssyncset.done $0x0  }
.LBB2_2:
0x35: {  	s2 =	sor.u32 s2, s23  }
0x36: {  	[sflag:s22] =	ssyncadd.s32 $0xFFFFC000;
	s23 =	smov.u32 s31;
	s0 =	sadd.s32 $0x100, s31  }
0x37: {  	[tilespmem:s18], [sflag:$0x1] =	stream.indirect.gather [hbm4b:s1+s17], $0x80, s16, s17, $0xb8;
	[tilespmem:$0x1E900] =	vst v63  }
0x38: {  	p0 =	sne.s32 s31, $0x2700;
	s28 =	sadd.s32 $0x80, s28;
	s2 =	sshrl.u32 s2, $0x3  }
0x39: {  	[spmem:s3] =	stream.indirect.scatter.add.f32 [tilespmem:s21], [sflag:$0x3], $0x80, s28, s17, $0xb8;
	[tilespmem:$0x1E900] =	vst v63  }
0x3a: {  	s28 =	smov.u32 s29;
	_ =	swait.ge [sflag:s15], $0x4000  }
0x3b: {  	[sflag:s15] =	ssyncset.done $0x0  }
0x3c: {  	s2 =	sadd.s32 s6, s2;
	[sflag:s15] =	ssyncadd.s32 $0xFFFFC000  }
0x3d: {  	[tilespmem:s19], [sflag:$0x3] =	stream.linear.gather [hbm4b:s2+s5], $0x80, $0x38;
	[tilespmem:$0x1E900] =	vst v63  }
0x3e: {  	_ =	swait.ge [sflag:s15], $0x80  }
0x3f: {  	[sflag:s15] =	ssyncset.done $0x0  }
0x40: {  	[sflag:s15] =	ssyncadd.s32 $0xFFFFFF80  }
0x41: {  	_ =	swait.ge [sflag:s20], $0x4000  }
0x42: {  	[sflag:s20] =	ssyncset.done $0x0  }
0x43: {  	[sflag:s20] =	ssyncadd.s32 $0xFFFFC000  }
0x44: {  	[tilespmem:s21], [sflag:$0x2] =	stream.indirect.gather [hbm4b:s1+s17], $0x80, s19, s17, $0xb8;
	[tilespmem:$0x1E900] =	vst v63  }
0x45: {  	s2 =	sand.u32 $0x7C00, s30  }
0x46: {  	[spmem:s3] =	stream.indirect.scatter.add.f32 [tilespmem:s18], [sflag:$0x3], $0x80, s29, s17, $0xb8;
	[tilespmem:$0x1E900] =	vst v63  }
0x47: {  	s30 =	sand.u32 $0x300, s30;
	s2 =	sadd.s32 s4, s2;
	_ =	swait.ge [sflag:s15], $0x4000  }
0x48: {  	s2 =	sor.u32 s30, s2;
	s30 =	smov.u32 s23  }
0x49: {  	s2 =	sshrl.u32 s2, $0x3;
	[sflag:s15] =	ssyncset.done $0x0  }
0x4a: {  	s2 =	sadd.s32 s6, s2;
	[sflag:s15] =	ssyncadd.s32 $0xFFFFC000  }
0x4b: {  	[tilespmem:s16], [sflag:$0x3] =	stream.linear.gather [hbm4b:s2+s5], $0x80, $0x38;
	[tilespmem:$0x1E900] =	vst v63  }
.Ltmp0:
0x4c: {  	s2 =	sadd.s32 $0xFFFFFF00, s30;
	_ =	swait.ge [sflag:s15], $0x80;
	(pc) =	sbr.rel @p0 .LBB2_2-.Ltmp0, $4  }
0x4d: {  	[sflag:s15] =	ssyncset.done $0x0  }
0x4e: {  	s31 =	smov.u32 s0;
	s2 =	sand.u32 $0x3C00, s2;
	[sflag:s15] =	ssyncadd.s32 $0xFFFFFF80  }
0x4f: {  	s23 =	sadd.s32 $0xFFFFFF80, s30;
	s2 =	sadd.s32 s4, s2;
	_ =	swait.ge [sflag:s22], $0x4000  }
0x50: {  	s23 =	sand.u32 $0x380, s23;
	s29 =	sadd.s32 $0x100, s29;
	[sflag:s22] =	ssyncset.done $0x0  }
0x51: {  	[sflag:s22] =	ssyncadd.s32 $0xFFFFC000  }
0x52: {  	[tilespmem:s18], [sflag:$0x1] =	stream.indirect.gather [hbm4b:s1+s17], $0x80, s16, s17, $0xb8;
	[tilespmem:$0x1E900] =	vst v63  }
0x53: {  	s0 =	sadd.s32 $0x80, s28  }
0x54: {  	[spmem:s3] =	stream.indirect.scatter.add.f32 [tilespmem:s21], [sflag:$0x3], $0x80, s0, s17, $0xb8;
	[tilespmem:$0x1E900] =	vst v63  }
0x55: {  	s2 =	sor.u32 s2, s23;
	_ =	swait.ge [sflag:s15], $0x4000  }
0x56: {  	s0 =	sshrl.u32 s2, $0x3;
	[sflag:s15] =	ssyncset.done $0x0  }
0x57: {  	s0 =	sadd.s32 s6, s0;
	[sflag:s15] =	ssyncadd.s32 $0xFFFFC000  }
0x58: {  	[tilespmem:s19], [sflag:$0x3] =	stream.linear.gather [hbm4b:s0+s5], $0x80, $0x38;
	[tilespmem:$0x1E900] =	vst v63  }
0x59: {  	_ =	swait.ge [sflag:s15], $0x80  }
0x5a: {  	[sflag:s15] =	ssyncset.done $0x0  }
0x5b: {  	[sflag:s15] =	ssyncadd.s32 $0xFFFFFF80  }
0x5c: {  	_ =	swait.ge [sflag:s20], $0x4000  }
0x5d: {  	[sflag:s20] =	ssyncset.done $0x0  }
0x5e: {  	s23 =	sand.u32 $0x7C00, s30;
	[sflag:s20] =	ssyncadd.s32 $0xFFFFC000  }
0x5f: {  	[tilespmem:s21], [sflag:$0x2] =	stream.indirect.gather [hbm4b:s1+s17], $0x80, s19, s17, $0xb8;
	[tilespmem:$0x1E900] =	vst v63  }
0x60: {  	s28 =	sand.u32 $0x300, s30;
	s0 =	sadd.s32 s4, s23  }
0x61: {  	[spmem:s3] =	stream.indirect.scatter.add.f32 [tilespmem:s18], [sflag:$0x3], $0x80, s29, s17, $0xb8;
	[tilespmem:$0x1E900] =	vst v63  }
0x62: {  	s0 =	sor.u32 s28, s0;
	_ =	swait.ge [sflag:s15], $0x4000  }
0x63: {  	s0 =	sshrl.u32 s0, $0x3;
	[sflag:s15] =	ssyncset.done $0x0  }
0x64: {  	s0 =	sadd.s32 s6, s0;
	[sflag:s15] =	ssyncadd.s32 $0xFFFFC000  }
0x65: {  	[tilespmem:s16], [sflag:$0x3] =	stream.linear.gather [hbm4b:s0+s5], $0x80, $0x38;
	[tilespmem:$0x1E900] =	vst v63  }
0x66: {  	_ =	swait.ge [sflag:s15], $0x80  }
0x67: {  	[sflag:s15] =	ssyncset.done $0x0  }
0x68: {  	[sflag:s15] =	ssyncadd.s32 $0xFFFFFF80  }
0x69: {  	_ =	swait.ge [sflag:s22], $0x4000  }
0x6a: {  	[sflag:s22] =	ssyncset.done $0x0  }
0x6b: {  	[sflag:s22] =	ssyncadd.s32 $0xFFFFC000  }
0x6c: {  	[tilespmem:s18], [sflag:$0x1] =	stream.indirect.gather [hbm4b:s1+s17], $0x80, s16, s17, $0xb8;
	[tilespmem:$0x1E900] =	vst v63  }
0x6d: {  	s30 =	sadd.s32 $0x80, s29  }
0x6e: {  	[spmem:s3] =	stream.indirect.scatter.add.f32 [tilespmem:s21], [sflag:$0x3], $0x80, s30, s17, $0xb8;
	[tilespmem:$0x1E900] =	vst v63  }
0x6f: {  	_ =	swait.ge [sflag:s15], $0x4000  }
0x70: {  	[sflag:s15] =	ssyncset.done $0x0  }
0x71: {  	[sflag:s15] =	ssyncadd.s32 $0xFFFFC000  }
0x72: {  	[tilespmem:s19], [sflag:$0x3] =	stream.linear.gather [hbm4b:s13+s5], $0x80, $0x38;
	[tilespmem:$0x1E900] =	vst v63  }
0x73: {  	_ =	swait.ge [sflag:s15], $0x80  }
0x74: {  	[sflag:s15] =	ssyncset.done $0x0  }
0x75: {  	[sflag:s15] =	ssyncadd.s32 $0xFFFFFF80  }
0x76: {  	_ =	swait.ge [sflag:s20], $0x4000  }
0x77: {  	[sflag:s20] =	ssyncset.done $0x0  }
0x78: {  	[sflag:s20] =	ssyncadd.s32 $0xFFFFC000  }
0x79: {  	[tilespmem:s21], [sflag:$0x2] =	stream.indirect.gather [hbm4b:s1+s17], $0x80, s19, s17, $0xb8;
	[tilespmem:$0x1E900] =	vst v63  }
0x7a: {  	s31 =	simm.s32 $0x16800  }
0x7b: {  	[spmem:s3] =	stream.indirect.scatter.add.f32 [tilespmem:s18], [sflag:$0x3], $0x80, s31, s17, $0xb8;
	[tilespmem:$0x1E900] =	vst v63  }
0x7c: {  	_ =	swait.ge [sflag:s15], $0x4000  }
0x7d: {  	[sflag:s15] =	ssyncset.done $0x0  }
0x7e: {  	[sflag:s15] =	ssyncadd.s32 $0xFFFFC000  }
0x7f: {  	_ =	swait.ge [sflag:s22], $0x4000  }
0x80: {  	[sflag:s22] =	ssyncset.done $0x0  }
0x81: {  	[sflag:s22] =	ssyncadd.s32 $0xFFFFC000  }
0x82: {  	[spmem:s3] =	stream.indirect.scatter.add.f32 [tilespmem:s21], [sflag:$0x3], $0x80, s24, s17, $0xb8;
	[tilespmem:$0x1E900] =	vst v63  }
0x83: {  	_ =	swait.ge [sflag:s15], $0x4000  }
0x84: {  	s26 =	sadd.s32 $0x1, s26;
	[sflag:s15] =	ssyncset.done $0x0  }
0x85: {  	p0 =	sne.s32 s26, s12;
	[sflag:s15] =	ssyncadd.s32 $0xFFFFC000  }
.Ltmp1:
0x86: {  	[bflag:$0x0] =	sbarrier.arrive $0xFFFF;
	(pc) =	sbr.rel @p0 .LBB2_1-.Ltmp1, $4  }
0x87: {  	[hbm:s11], [sflag:s8] =	dma.local [spmem:s25], $0x2780  }
0x88: {  	_ =	swait.ge [sflag:s15], $0x2780  }
0x89: {  	[sflag:s15] =	ssyncset.done $0x0  }
0x8a: {  	[sflag:s15] =	ssyncadd.s32 $0xFFFFD880  }
0x8b: {  	_ =	sfence.sel $0x180000  }
0x8c: {  	[bflag:$0x0] =	sbarrier.arrive $0xFFFF  }
0x8d: {  	_ =	strace $0x90000047  }
0x8e: {  	s0 =	stileid.u32;
	[bflag:$0x2] =	sbarrier.arrive $0xFFFF  }
0x8f: {  	p0 =	sne.s32 s0, $0x0;
	s0 =	rddreg [dreg:$0x3]  }
0x90: {  	s0 =	sadd.s32 @!p0 $0x100000, s0  }
0x91: {  	[sflag:s0] =	ssyncadd.tile.s32 @!p0 $0x1;
	_ =	shalt  }
.Lfunc_end2:
_tile_overlayer_lowered:
.L_overlay_start_2:
0x92: {  	(tag) =	ssettag $0x2  }
0x93: {  	s0 =	rddreg [dreg:$0x0];
	s2 =	stileid.u32  }
0x94: {  	s1 =	rddreg [dreg:$0x1];
	p0 =	sne.s32 s2, $0x0  }
0x95: {  	s3 =	rddreg [dreg:$0x2];
	[bflag:$0x3] =	sbarrier.arrive $0xFFFF;
	s2 =	simm.s32 @!p0 $0x1C03  }
0x96: {  	[timem:s3], [sflag:s2] =	dma.local @!p0 [hbm:s0], s1  }
0x97: {  	s0 =	simm.s32 @!p0 $0x3  }
0x98: {  	_ =	swait.ge @!p0 [sflag:s0], s1  }
0x99: {  	s1 =	ssub.s32 @!p0 $0x0, s1;
	[sflag:s0] =	ssyncset.done @!p0 $0x0  }
0x9a: {  	[sflag:s0] =	ssyncadd.s32 @!p0 s1  }
0x9b: {  	[bflag:$0x3] =	sbarrier.arrive $0xFFFF  }
0x9c: {  	_ =	shalt  }

// kernel: kernel.14.cloned.1.call-start
scs
__scs_entry_jumppad:
0x0: {  	(pc) =	sbr.rel $0x88, $3  }
0x1: {  	(tag) =	ssettag $0x0;
	lr =	simm.s32 $0x1  }
0x2: {  	[smem:$0x3F95] =	sst lr;
	_ =	strace $0xD0000000  }
0x3: {  	_ = 	snop  }
0x4: {  	_ = 	snop  }
0x5: {  	_ = 	snop  }
0x6: {  	_ = 	snop  }
0x7: {  	_ = 	snop  }
__scs_overlays_trampoline_lowered:
0x8: {  	[smem:$0x3FA4] =	sst s0  }
0x9: {  	[smem:$0x3FA5] =	sst s1  }
0xa: {  	[smem:$0x3FA6] =	sst s2  }
0xb: {  	[smem:$0x3FA7] =	sst s3  }
0xc: {  	[smem:$0x3FA8] =	sst s4  }
0xd: {  	[smem:$0x3FA9] =	sst s5  }
0xe: {  	[smem:$0x3FAA] =	sst s6  }
0xf: {  	[smem:$0x3FAB] =	sst s7  }
0x10: {  	[smem:$0x3FAC] =	sst s8  }
0x11: {  	[smem:$0x3FAD] =	sst s9;
	s0 =	simm.s32 @!p0 $0x0  }
0x12: {  	s1 =	sld [smem:$0x3F93];
	s0 =	simm.s32 @p0 $0x1  }
0x13: {  	[smem:$0x3FAE] =	sst s0;
	s0 =	simm.s32 @!p1 $0x0  }
0x14: {  	s2 =	sld [smem:$0x3F92];
	s0 =	simm.s32 @p1 $0x1  }
0x15: {  	[smem:$0x3FAF] =	sst s0;
	s0 =	simm.s32 @!p2 $0x0  }
0x16: {  	s3 =	sld [smem:$0x3FDB];
	s0 =	simm.s32 @p2 $0x1  }
0x17: {  	s4 =	simm.s32 $0x1BF5;
	[smem:$0x3FB1] =	sst s0  }
0x18: {  	s0 =	sld [smem:$0x3F94];
	_ =	swait.ge [sflag:s4], $0x0  }
0x19: {  	s7 =	sld [smem:$0x3F95]  }
0x1a: {  	s8 =	sadd.s32 $0xFFFFE003, lr  }
0x1b: {  	s9 =	sadd.s32 $0xFFFFFEF7, lr;
	s5 =	simm.s32 $0xFFFFFFFF;
	p2 =	slt.u32 s8, $0xFFFFF086  }
0x1c: {  	p1 =	slt.u32 s9, $0xF7A;
	s5 =	simm.s32 @!p2 $0x0  }
0x1d: {  	s5 =	simm.s32 @p1 $0x1;
	p0 =	seq.s32 s7, s2  }
0x1e: {  	s7 =	smul.u32 @!p0 $0xF7A, s2;
	p2 =	seq.s32 @!p0 s5, $0x0  }
0x1f: {  	s9 =	smul.u32 $0xF7A, s1;
	s8 =	simm.s32 @!p0 $0x1BF5;
	p2 =	por !p2, p0  }
0x20: {  	[sflag:s8] =	ssyncset.s32 @!p0 $0xFFFFF086;
	s6 =	sadd.s32 @!p0 s3, s7;
	s7 =	simm.s32 @!p0 $0x108  }
0x21: {  	s3 =	sadd.s32 s3, s9;
	s6 =	sadd.s32 @!p0 $0x88, s6;
	s7 =	simm.s32 @p2 $0x1082  }
0x22: {  	[simem:s7], [sflag:s8] =	dma.local @!p0 [hbm:s6], $0xF7A  }
0x23: {  	s9 =	sor.u32 $0xD0000000, s2;
	s6 =	simm.s32 $0x108;
	_ =	swait.ge @!p0 [sflag:s8], $0x0  }
0x24: {  	s3 =	sadd.s32 $0x88, s3;
	s6 =	simm.s32 @!p1 $0x1082;
	[sflag:s4] =	ssyncset.s32 $0xFFFFF086  }
0x25: {  	[simem:s6], [sflag:s4] =	dma.local [hbm:s3], $0xF7A  }
0x26: {  	[smem:$0x3F95] =	sst s1;
	(tag) =	ssettag s2;
	_ =	strace s9  }
0x27: {  	s1 =	sld [smem:$0x3FA5]  }
0x28: {  	s2 =	sld [smem:$0x3FA6]  }
0x29: {  	s4 =	sld [smem:$0x3FA8]  }
0x2a: {  	p0 =	seq.s32 s5, $0x0;
	s5 =	sld [smem:$0x3FA9]  }
0x2b: {  	s6 =	sld [smem:$0x3FAA]  }
0x2c: {  	s7 =	sld [smem:$0x3FAB]  }
0x2d: {  	s3 =	simm.s32 $0x108;
	s8 =	sld [smem:$0x3FAC]  }
0x2e: {  	s3 =	simm.s32 @!p0 $0x1082;
	s9 =	sld [smem:$0x3FAD]  }
0x2f: {  	lr =	sadd.s32 s0, s3;
	s0 =	sld [smem:$0x3FA4]  }
0x30: {  	s3 =	sld [smem:$0x3FA7]  }
0x31: {  	[smem:$0x3FB0] =	sst s10  }
0x32: {  	s10 =	sld [smem:$0x3FAE];
	_ =	sdelay $0x3  }
0x33: {  	p0 =	seq.s32 s10, $0x1;
	s10 =	sld [smem:$0x3FB0];
	_ =	sdelay $0x3  }
0x34: {  	[smem:$0x3FB0] =	sst s10  }
0x35: {  	s10 =	sld [smem:$0x3FAF];
	_ =	sdelay $0x3  }
0x36: {  	p1 =	seq.s32 s10, $0x1;
	s10 =	sld [smem:$0x3FB0];
	_ =	sdelay $0x3  }
0x37: {  	[smem:$0x3FB0] =	sst s10  }
0x38: {  	s10 =	sld [smem:$0x3FB1]  }
0x39: {  	_ = 	snop;
	(pc) =	sbr.ind lr, $3  }
0x3a: {  	_ = 	snop  }
0x3b: {  	_ = 	snop  }
0x3c: {  	p2 =	seq.s32 s10, $0x1;
	s10 =	sld [smem:$0x3FB0]  }
0x3d: {  	_ =	shalt  }
0x3e: {  	_ =	shalt  }
0x3f: {  	_ =	shalt  }
0x40: {  	_ =	shalt  }
0x41: {  	_ =	shalt  }
0x42: {  	_ =	shalt  }
0x43: {  	_ =	shalt  }
0x44: {  	_ =	shalt  }
0x45: {  	_ =	shalt  }
0x46: {  	_ =	shalt  }
0x47: {  	_ =	shalt  }
0x48: {  	_ =	shalt  }
0x49: {  	_ =	shalt  }
0x4a: {  	_ =	shalt  }
0x4b: {  	_ =	shalt  }
0x4c: {  	_ =	shalt  }
0x4d: {  	_ =	shalt  }
0x4e: {  	_ =	shalt  }
0x4f: {  	_ =	shalt  }
0x50: {  	_ =	shalt  }
0x51: {  	_ =	shalt  }
0x52: {  	_ =	shalt  }
0x53: {  	_ =	shalt  }
0x54: {  	_ =	shalt  }
0x55: {  	_ =	shalt  }
0x56: {  	_ =	shalt  }
0x57: {  	_ =	shalt  }
0x58: {  	_ =	shalt  }
0x59: {  	_ =	shalt  }
0x5a: {  	_ =	shalt  }
0x5b: {  	_ =	shalt  }
0x5c: {  	_ =	shalt  }
0x5d: {  	_ =	shalt  }
0x5e: {  	_ =	shalt  }
0x5f: {  	_ =	shalt  }
0x60: {  	_ =	shalt  }
0x61: {  	_ =	shalt  }
0x62: {  	_ =	shalt  }
0x63: {  	_ =	shalt  }
0x64: {  	_ =	shalt  }
0x65: {  	_ =	shalt  }
0x66: {  	_ =	shalt  }
0x67: {  	_ =	shalt  }
0x68: {  	_ =	shalt  }
0x69: {  	_ =	shalt  }
0x6a: {  	_ =	shalt  }
0x6b: {  	_ =	shalt  }
0x6c: {  	_ =	shalt  }
0x6d: {  	_ =	shalt  }
0x6e: {  	_ =	shalt  }
0x6f: {  	_ =	shalt  }
0x70: {  	_ =	shalt  }
0x71: {  	_ =	shalt  }
0x72: {  	_ =	shalt  }
0x73: {  	_ =	shalt  }
0x74: {  	_ =	shalt  }
0x75: {  	_ =	shalt  }
0x76: {  	_ =	shalt  }
0x77: {  	_ =	shalt  }
0x78: {  	_ =	shalt  }
0x79: {  	_ =	shalt  }
0x7a: {  	_ =	shalt  }
0x7b: {  	_ =	shalt  }
0x7c: {  	_ =	shalt  }
0x7d: {  	_ =	shalt  }
0x7e: {  	_ =	shalt  }
0x7f: {  	_ =	shalt  }
0x80: {  	_ =	shalt  }
0x81: {  	_ =	shalt  }
0x82: {  	_ =	shalt  }
0x83: {  	_ =	shalt  }
0x84: {  	_ =	shalt  }
0x85: {  	_ =	shalt  }
0x86: {  	_ =	shalt  }
0x87: {  	_ =	shalt  }
.Lfunc_end0:
.L_simem_size_0:
called_computation.2_lowered:
.L_overlay_start_0:
0x88: {  	s2 =	sld [smem:$0x3FD9]  }
0x89: {  	s3 =	sld [smem:$0x3FFE];
	_ =	sdelay $0x1  }
0x8a: {  	s1 =	srdreg.scid  }
0x8b: {  	s0 =	sand.u32 $0x1, s1  }
0x8c: {  	s16 =	sshll.u32 s0, $0xA;
	s2 =	sadd.s32 s3, s2  }
0x8d: {  	s2 =	sadd.s32 s2, s16  }
0x8e: {  	[smem:$0x3FBC] =	sst s2  }
0x8f: {  	_ = 	snop  }
0x90: {  	(tm) =	ssettm $0x1  }
0x91: {  	s17 =	sld [smem:$0x3FFB];
	_ =	sdelay $0x3  }
0x92: {  	_ =	strace s17  }
0x93: {  	s2 =	sld [smem:$0x3FFC];
	_ =	sdelay $0x3  }
0x94: {  	_ =	strace s2  }
0x95: {  	s2 =	sld [smem:$0x3FFD];
	_ =	sdelay $0x3  }
0x96: {  	_ =	strace s2  }
0x97: {  	_ =	strace $0x8FFFFFFF  }
0x98: {  	s18 =	sld [smem:$0x3FDB];
	_ =	sdelay $0x1  }
0x99: {  	s19 =	simm.s32 $_scs_section_size  }
0x9a: {  	s4 =	simm.s32 $_size__tile_overlayer_lowered;
	s5 =	simm.s32 $_tile_overlayer_lowered  }
0x9b: {  	s22 =	simm.s32 $0x1BFF;
	s21 =	sshll.u32 s5, $0x1;
	s2 =	sadd.s32 s19, s18  }
0x9c: {  	s6 =	simm.s32 $0x0;
	s20 =	sshll.u32 s4, $0x1;
	s4 =	sadd.s32 s21, s2  }
0x9d: {  	[timem:s6], [sflag:s22] =	dma.local [hbm:s4], s20  }
0x9e: {  	_ =	swait.ge [sflag:s22], s20  }
0x9f: {  	s3 =	ssub.s32 $0x0, s20;
	[sflag:s22] =	ssyncset.done $0x0  }
0xa0: {  	[sflag:s22] =	ssyncadd.s32 s3;
	_ =	sdelay $0x1  }
0xa1: {  	s23 =	simm.s32 $0x1B8B  }
0xa2: {  	_ =	swait.ge [sflag:s23], $0x1  }
0xa3: {  	[sflag:s23] =	ssyncset.done $0x0  }
0xa4: {  	s25 =	simm.s32 $0x1B8E;
	s24 =	sld [smem:$0x3FFE];
	[sflag:s23] =	ssyncadd.s32 $0xFFFFFFFF  }
0xa5: {  	s26 =	simm.s32 $execute0_lowered;
	[smem:$0x3FD2] =	sst s25  }
0xa6: {  	s4 =	sshll.u32 s26, $0x1;
	_ =	strace $0x8000004C;
	[dreg:$0x1] =	wrdreg $0xFFFFFFFF  }
0xa7: {  	s28 =	simm.s32 $_size_execute0_lowered;
	s2 =	sadd.s32 s2, s4;
	[dreg:$0x0] =	wrdreg $0x0  }
0xa8: {  	s4 =	sshll.u32 s28, $0x1;
	[dreg:$0x2] =	wrdreg s2  }
0xa9: {  	[dreg:$0x3] =	wrdreg s4  }
0xaa: {  	[dreg:$0x4] =	wrdreg $0xC0  }
0xab: {  	_ =	task [dreg:s6], $0x5FFFF  }
0xac: {  	[dreg:$0x1] =	wrdreg $0xFFFFFFFF  }
0xad: {  	[dreg:$0x0] =	wrdreg $0x60  }
0xae: {  	[dreg:$0x2] =	wrdreg s24  }
0xaf: {  	[dreg:$0x3] =	wrdreg $0x0  }
0xb0: {  	[dreg:$0x4] =	wrdreg $0x9  }
0xb1: {  	_ =	task.clear_ibuf [dreg:s6], $0x5FFFF;
	_ =	strace $0x9000004C  }
0xb2: {  	s29 =	simm.s32 $0x9;
	_ =	strace $0x8000004E  }
0xb3: {  	_ =	swait.ge [sflag:s29], $0x1  }
0xb4: {  	[sflag:s29] =	ssyncadd.s32 $0xFFFFFFFF  }
0xb5: {  	_ =	strace $0x9000004E  }
0xb6: {  	_ =	sfence  }
0xb7: {  	s30 =	sld [smem:$0x0];
	_ =	sdelay $0x2  }
0xb8: {  	s31 =	sshll.u32 s1, $0xD;
	s1 =	sshrl.u32 s1, $0x2  }
0xb9: {  	s3 =	sand.u32 $0x4000, s31;
	s1 =	sadd.s32 s1, s30  }
0xba: {  	s0 =	sor.u32 s3, s0;
	s1 =	sshll.u32 s1, $0x11  }
0xbb: {  	s0 =	sor.u32 s1, s0  }
0xbc: {  	s0 =	sadd.s32 $0x8F2B, s0  }
0xbd: {  	[sflag:s0] =	ssyncadd.remote.s32 $0x1  }
0xbe: {  	_ =	sfence.sel $0xFFFF  }
0xbf: {  	[dreg:$0x0] =	wrdreg $0xFFFFFFFF;
	(pc) =	sbr.abs _section_cstart, $3  }
0xc0: {  	[dreg:$0x1] =	wrdreg $0xFFFFFFFF  }
0xc1: {  	_ =	task.clear_ibuf [dreg:s6], $0x2FFFF;
	_ =	strace $0x9FFFFFFF  }
0xc2: {  	(tm) =	ssettm $0x7FFFFFFF  }
0xc3: {  	_ =	shalt  }
tec
execute0_lowered:
.L_overlay_start_1:
0x0: {  	(tag) =	ssettag $0x1  }
0x1: {  	s0 =	srdreg.scid  }
0x2: {  	s13 =	stileid.u32;
	s1 =	rddreg [dreg:$0x0]  }
0x3: {  	s2 =	rddreg [dreg:$0x1];
	s15 =	simm.s32 $0x3;
	s16 =	simm.s32 $0x14000  }
0x4: {  	s17 =	simm.s32 $0x80;
	s18 =	simm.s32 $0x16900;
	s19 =	simm.s32 $0x14080  }
0x5: {  	s20 =	simm.s32 $0x1;
	s21 =	simm.s32 $0x1A900;
	s8 =	smul.u32 $0x13C00, s13  }
0x6: {  	s22 =	simm.s32 $0x2;
	s24 =	simm.s32 $0x16880;
	s11 =	smul.u32 $0x2800, s13  }
0x7: {  	s0 =	sand.u32 $0x1, s0;
	s3 =	sshll.u32 s13, $0x1;
	s26 =	smul.u32 $0x50000, s13  }
0x8: {  	s5 =	sadd.s32 $0x8E600, s1;
	s6 =	sadd.s32 $0x3600, s1;
	s12 =	smul.u32 $0x4F000, s13  }
0x9: {  	s30 =	sshll.u32 s13, $0x6;
	s4 =	sor.u32 s0, s3;
	s7 =	smul.u32 $0x13C000, s0  }
0xa: {  	s3 =	simm.s32 $0x0;
	s0 =	ssub.s32 $0x2, s0;
	s4 =	smul.u32 $0x2800, s4  }
0xb: {  	[smem:$0x7FF] =	sst s3;
	s11 =	sadd.s32 s11, s1;
	s28 =	sshrl.u32 s0, $0x1  }
0xc: {  	s29 =	sshrl.u32 s26, $0x2;
	s12 =	sshrl.u32 s12, $0x2;
	s26 =	simm.s32 $0x0  }
0xd: {  	_ =	strace $0x8000004D;
	s7 =	sadd.s32 s8, s7;
	s0 =	ssub.s32 s0, s28  }
0xe: {  	s14 =	sadd.s32 s29, s2;
	s8 =	sor.u32 $0x1C03, s30;
	s31 =	sadd.s32 s12, s2  }
0xf: {  	s10 =	sshrl.u32 s4, $0x3;
	s7 =	sshrl.u32 s7, $0x3;
	s12 =	smax.u32 s0, $0x1  }
0x10: {  	s14 =	sshrl.u32 s14, $0x3;
	s25 =	sshrl.u32 s31, $0x3;
	s9 =	sadd.s32 s10, s1  }
0x11: {  	s1 =	sadd.s32 s7, s1;
	s7 =	sadd.s32 $0x17600, s11;
	s10 =	sadd.s32 s6, s10  }
0x12: {  	s9 =	sadd.s32 $0xD600, s9;
	s11 =	sadd.s32 $0xB5E00, s1;
	s13 =	sadd.s32 $0x4F0, s10  }
.LBB2_1:
0x13: {  	[spmem:s14], [sflag:s8] =	dma.local [hbm:s7], $0x2800  }
0x14: {  	_ =	swait.ge [sflag:s15], $0x2800  }
0x15: {  	[sflag:s15] =	ssyncset.done $0x0  }
0x16: {  	s28 =	simm.s32 $0x14100;
	[sflag:s15] =	ssyncadd.s32 $0xFFFFD800  }
0x17: {  	[tilespmem:s28], [sflag:$0x3] =	stream.linear.gather [hbm4b:s9+s3], $0x2800, $0x38;
	[tilespmem:$0x1E900] =	vst v63  }
0x18: {  	_ =	swait.ge [sflag:s15], $0x2800  }
0x19: {  	[sflag:s15] =	ssyncset.done $0x0  }
0x1a: {  	s0 =	simm.s32 $0x0;
	[sflag:s15] =	ssyncadd.s32 $0xFFFFD800  }
0x1b: {  	s1 =	simm.s32 $0x80;
	s0 =	sand.u32 $0x3C00, s0;
	[bflag:$0x0] =	sbarrier.arrive $0xFFFF  }
0x1c: {  	[tilespmem:s16], [sflag:$0x3] =	stream.linear.gather [hbm4b:s10+s3], $0x80, $0x38;
	[tilespmem:$0x1E900] =	vst v63  }
0x1d: {  	s1 =	sand.u32 $0x380, s1;
	s0 =	sadd.s32 s4, s0;
	_ =	swait.ge [sflag:s15], $0x80  }
0x1e: {  	s0 =	sor.u32 s0, s1;
	[sflag:s15] =	ssyncset.done $0x0  }
0x1f: {  	s0 =	sshrl.u32 s0, $0x3;
	[sflag:s15] =	ssyncadd.s32 $0xFFFFFF80  }
0x20: {  	[tilespmem:s18], [sflag:$0x1] =	stream.indirect.gather [hbm4b:s5+s17], $0x80, s16, s17, $0xb8;
	[tilespmem:$0x1E900] =	vst v63  }
0x21: {  	s0 =	sadd.s32 s6, s0  }
0x22: {  	[tilespmem:s19], [sflag:$0x3] =	stream.linear.gather [hbm4b:s0+s3], $0x80, $0x38;
	[tilespmem:$0x1E900] =	vst v63  }
0x23: {  	_ =	swait.ge [sflag:s15], $0x80  }
0x24: {  	[sflag:s15] =	ssyncset.done $0x0  }
0x25: {  	[sflag:s15] =	ssyncadd.s32 $0xFFFFFF80  }
0x26: {  	_ =	swait.ge [sflag:s20], $0x4000  }
0x27: {  	s0 =	simm.s32 $0x100;
	[sflag:s20] =	ssyncset.done $0x0  }
0x28: {  	s23 =	sand.u32 $0x7C00, s0;
	[sflag:s20] =	ssyncadd.s32 $0xFFFFC000  }
0x29: {  	[tilespmem:s21], [sflag:$0x2] =	stream.indirect.gather [hbm4b:s5+s17], $0x80, s19, s17, $0xb8;
	[tilespmem:$0x1E900] =	vst v63  }
0x2a: {  	s0 =	sand.u32 $0x300, s0;
	s1 =	sadd.s32 s4, s23  }
0x2b: {  	[spmem:s2] =	stream.indirect.scatter.add.f32 [tilespmem:s18], [sflag:$0x3], $0x80, s28, s17, $0xb8;
	[tilespmem:$0x1E900] =	vst v63  }
0x2c: {  	s0 =	sor.u32 s0, s1;
	_ =	swait.ge [sflag:s15], $0x4000  }
0x2d: {  	s0 =	sshrl.u32 s0, $0x3;
	[sflag:s15] =	ssyncset.done $0x0  }
0x2e: {  	s0 =	sadd.s32 s6, s0;
	[sflag:s15] =	ssyncadd.s32 $0xFFFFC000  }
0x2f: {  	[tilespmem:s16], [sflag:$0x3] =	stream.linear.gather [hbm4b:s0+s3], $0x80, $0x38;
	[tilespmem:$0x1E900] =	vst v63  }
0x30: {  	_ =	swait.ge [sflag:s15], $0x80  }
0x31: {  	s30 =	simm.s32 $0x200;
	s31 =	simm.s32 $0x300;
	[sflag:s15] =	ssyncset.done $0x0  }
0x32: {  	s29 =	simm.s32 $0x14200;
	s1 =	simm.s32 $0x100;
	[sflag:s15] =	ssyncadd.s32 $0xFFFFFF80  }
0x33: {  	s23 =	simm.s32 $0x180;
	s0 =	sand.u32 $0x3C00, s1;
	_ =	swait.ge [sflag:s22], $0x4000  }
0x34: {  	s23 =	sand.u32 $0x380, s23;
	s1 =	sadd.s32 s4, s0;
	[sflag:s22] =	ssyncset.done $0x0  }
.LBB2_2:
0x35: {  	s1 =	sor.u32 s1, s23  }
0x36: {  	[sflag:s22] =	ssyncadd.s32 $0xFFFFC000;
	s23 =	smov.u32 s31;
	s0 =	sadd.s32 $0x100, s31  }
0x37: {  	[tilespmem:s18], [sflag:$0x1] =	stream.indirect.gather [hbm4b:s5+s17], $0x80, s16, s17, $0xb8;
	[tilespmem:$0x1E900] =	vst v63  }
0x38: {  	p0 =	sne.s32 s31, $0x2700;
	s28 =	sadd.s32 $0x80, s28;
	s1 =	sshrl.u32 s1, $0x3  }
0x39: {  	[spmem:s2] =	stream.indirect.scatter.add.f32 [tilespmem:s21], [sflag:$0x3], $0x80, s28, s17, $0xb8;
	[tilespmem:$0x1E900] =	vst v63  }
0x3a: {  	s28 =	smov.u32 s29;
	_ =	swait.ge [sflag:s15], $0x4000  }
0x3b: {  	[sflag:s15] =	ssyncset.done $0x0  }
0x3c: {  	s1 =	sadd.s32 s6, s1;
	[sflag:s15] =	ssyncadd.s32 $0xFFFFC000  }
0x3d: {  	[tilespmem:s19], [sflag:$0x3] =	stream.linear.gather [hbm4b:s1+s3], $0x80, $0x38;
	[tilespmem:$0x1E900] =	vst v63  }
0x3e: {  	_ =	swait.ge [sflag:s15], $0x80  }
0x3f: {  	[sflag:s15] =	ssyncset.done $0x0  }
0x40: {  	[sflag:s15] =	ssyncadd.s32 $0xFFFFFF80  }
0x41: {  	_ =	swait.ge [sflag:s20], $0x4000  }
0x42: {  	[sflag:s20] =	ssyncset.done $0x0  }
0x43: {  	[sflag:s20] =	ssyncadd.s32 $0xFFFFC000  }
0x44: {  	[tilespmem:s21], [sflag:$0x2] =	stream.indirect.gather [hbm4b:s5+s17], $0x80, s19, s17, $0xb8;
	[tilespmem:$0x1E900] =	vst v63  }
0x45: {  	s1 =	sand.u32 $0x7C00, s30  }
0x46: {  	[spmem:s2] =	stream.indirect.scatter.add.f32 [tilespmem:s18], [sflag:$0x3], $0x80, s29, s17, $0xb8;
	[tilespmem:$0x1E900] =	vst v63  }
0x47: {  	s30 =	sand.u32 $0x300, s30;
	s1 =	sadd.s32 s4, s1;
	_ =	swait.ge [sflag:s15], $0x4000  }
0x48: {  	s1 =	sor.u32 s30, s1;
	s30 =	smov.u32 s23  }
0x49: {  	s1 =	sshrl.u32 s1, $0x3;
	[sflag:s15] =	ssyncset.done $0x0  }
0x4a: {  	s1 =	sadd.s32 s6, s1;
	[sflag:s15] =	ssyncadd.s32 $0xFFFFC000  }
0x4b: {  	[tilespmem:s16], [sflag:$0x3] =	stream.linear.gather [hbm4b:s1+s3], $0x80, $0x38;
	[tilespmem:$0x1E900] =	vst v63  }
.Ltmp0:
0x4c: {  	s1 =	sadd.s32 $0xFFFFFF00, s30;
	_ =	swait.ge [sflag:s15], $0x80;
	(pc) =	sbr.rel @p0 .LBB2_2-.Ltmp0, $4  }
0x4d: {  	[sflag:s15] =	ssyncset.done $0x0  }
0x4e: {  	s31 =	smov.u32 s0;
	s1 =	sand.u32 $0x3C00, s1;
	[sflag:s15] =	ssyncadd.s32 $0xFFFFFF80  }
0x4f: {  	s23 =	sadd.s32 $0xFFFFFF80, s30;
	s1 =	sadd.s32 s4, s1;
	_ =	swait.ge [sflag:s22], $0x4000  }
0x50: {  	s23 =	sand.u32 $0x380, s23;
	s29 =	sadd.s32 $0x100, s29;
	[sflag:s22] =	ssyncset.done $0x0  }
0x51: {  	[sflag:s22] =	ssyncadd.s32 $0xFFFFC000  }
0x52: {  	[tilespmem:s18], [sflag:$0x1] =	stream.indirect.gather [hbm4b:s5+s17], $0x80, s16, s17, $0xb8;
	[tilespmem:$0x1E900] =	vst v63  }
0x53: {  	s0 =	sadd.s32 $0x80, s28  }
0x54: {  	[spmem:s2] =	stream.indirect.scatter.add.f32 [tilespmem:s21], [sflag:$0x3], $0x80, s0, s17, $0xb8;
	[tilespmem:$0x1E900] =	vst v63  }
0x55: {  	s1 =	sor.u32 s1, s23;
	_ =	swait.ge [sflag:s15], $0x4000  }
0x56: {  	s0 =	sshrl.u32 s1, $0x3;
	[sflag:s15] =	ssyncset.done $0x0  }
0x57: {  	s0 =	sadd.s32 s6, s0;
	[sflag:s15] =	ssyncadd.s32 $0xFFFFC000  }
0x58: {  	[tilespmem:s19], [sflag:$0x3] =	stream.linear.gather [hbm4b:s0+s3], $0x80, $0x38;
	[tilespmem:$0x1E900] =	vst v63  }
0x59: {  	_ =	swait.ge [sflag:s15], $0x80  }
0x5a: {  	[sflag:s15] =	ssyncset.done $0x0  }
0x5b: {  	[sflag:s15] =	ssyncadd.s32 $0xFFFFFF80  }
0x5c: {  	_ =	swait.ge [sflag:s20], $0x4000  }
0x5d: {  	[sflag:s20] =	ssyncset.done $0x0  }
0x5e: {  	s23 =	sand.u32 $0x7C00, s30;
	[sflag:s20] =	ssyncadd.s32 $0xFFFFC000  }
0x5f: {  	[tilespmem:s21], [sflag:$0x2] =	stream.indirect.gather [hbm4b:s5+s17], $0x80, s19, s17, $0xb8;
	[tilespmem:$0x1E900] =	vst v63  }
0x60: {  	s28 =	sand.u32 $0x300, s30;
	s0 =	sadd.s32 s4, s23  }
0x61: {  	[spmem:s2] =	stream.indirect.scatter.add.f32 [tilespmem:s18], [sflag:$0x3], $0x80, s29, s17, $0xb8;
	[tilespmem:$0x1E900] =	vst v63  }
0x62: {  	s0 =	sor.u32 s28, s0;
	_ =	swait.ge [sflag:s15], $0x4000  }
0x63: {  	s0 =	sshrl.u32 s0, $0x3;
	[sflag:s15] =	ssyncset.done $0x0  }
0x64: {  	s0 =	sadd.s32 s6, s0;
	[sflag:s15] =	ssyncadd.s32 $0xFFFFC000  }
0x65: {  	[tilespmem:s16], [sflag:$0x3] =	stream.linear.gather [hbm4b:s0+s3], $0x80, $0x38;
	[tilespmem:$0x1E900] =	vst v63  }
0x66: {  	_ =	swait.ge [sflag:s15], $0x80  }
0x67: {  	[sflag:s15] =	ssyncset.done $0x0  }
0x68: {  	[sflag:s15] =	ssyncadd.s32 $0xFFFFFF80  }
0x69: {  	_ =	swait.ge [sflag:s22], $0x4000  }
0x6a: {  	[sflag:s22] =	ssyncset.done $0x0  }
0x6b: {  	[sflag:s22] =	ssyncadd.s32 $0xFFFFC000  }
0x6c: {  	[tilespmem:s18], [sflag:$0x1] =	stream.indirect.gather [hbm4b:s5+s17], $0x80, s16, s17, $0xb8;
	[tilespmem:$0x1E900] =	vst v63  }
0x6d: {  	s30 =	sadd.s32 $0x80, s29  }
0x6e: {  	[spmem:s2] =	stream.indirect.scatter.add.f32 [tilespmem:s21], [sflag:$0x3], $0x80, s30, s17, $0xb8;
	[tilespmem:$0x1E900] =	vst v63  }
0x6f: {  	_ =	swait.ge [sflag:s15], $0x4000  }
0x70: {  	[sflag:s15] =	ssyncset.done $0x0  }
0x71: {  	[sflag:s15] =	ssyncadd.s32 $0xFFFFC000  }
0x72: {  	[tilespmem:s19], [sflag:$0x3] =	stream.linear.gather [hbm4b:s13+s3], $0x80, $0x38;
	[tilespmem:$0x1E900] =	vst v63  }
0x73: {  	_ =	swait.ge [sflag:s15], $0x80  }
0x74: {  	[sflag:s15] =	ssyncset.done $0x0  }
0x75: {  	[sflag:s15] =	ssyncadd.s32 $0xFFFFFF80  }
0x76: {  	_ =	swait.ge [sflag:s20], $0x4000  }
0x77: {  	[sflag:s20] =	ssyncset.done $0x0  }
0x78: {  	[sflag:s20] =	ssyncadd.s32 $0xFFFFC000  }
0x79: {  	[tilespmem:s21], [sflag:$0x2] =	stream.indirect.gather [hbm4b:s5+s17], $0x80, s19, s17, $0xb8;
	[tilespmem:$0x1E900] =	vst v63  }
0x7a: {  	s31 =	simm.s32 $0x16800  }
0x7b: {  	[spmem:s2] =	stream.indirect.scatter.add.f32 [tilespmem:s18], [sflag:$0x3], $0x80, s31, s17, $0xb8;
	[tilespmem:$0x1E900] =	vst v63  }
0x7c: {  	_ =	swait.ge [sflag:s15], $0x4000  }
0x7d: {  	[sflag:s15] =	ssyncset.done $0x0  }
0x7e: {  	[sflag:s15] =	ssyncadd.s32 $0xFFFFC000  }
0x7f: {  	_ =	swait.ge [sflag:s22], $0x4000  }
0x80: {  	[sflag:s22] =	ssyncset.done $0x0  }
0x81: {  	[sflag:s22] =	ssyncadd.s32 $0xFFFFC000  }
0x82: {  	[spmem:s2] =	stream.indirect.scatter.add.f32 [tilespmem:s21], [sflag:$0x3], $0x80, s24, s17, $0xb8;
	[tilespmem:$0x1E900] =	vst v63  }
0x83: {  	_ =	swait.ge [sflag:s15], $0x4000  }
0x84: {  	s26 =	sadd.s32 $0x1, s26;
	[sflag:s15] =	ssyncset.done $0x0  }
0x85: {  	p0 =	sne.s32 s26, s12;
	[sflag:s15] =	ssyncadd.s32 $0xFFFFC000  }
.Ltmp1:
0x86: {  	[bflag:$0x0] =	sbarrier.arrive $0xFFFF;
	(pc) =	sbr.rel @p0 .LBB2_1-.Ltmp1, $4  }
0x87: {  	[hbm:s11], [sflag:s8] =	dma.local [spmem:s25], $0x2780  }
0x88: {  	_ =	swait.ge [sflag:s15], $0x2780  }
0x89: {  	[sflag:s15] =	ssyncset.done $0x0  }
0x8a: {  	[sflag:s15] =	ssyncadd.s32 $0xFFFFD880  }
0x8b: {  	_ =	sfence.sel $0x180000  }
0x8c: {  	[bflag:$0x0] =	sbarrier.arrive $0xFFFF  }
0x8d: {  	_ =	strace $0x9000004D  }
0x8e: {  	s0 =	stileid.u32;
	[bflag:$0x2] =	sbarrier.arrive $0xFFFF  }
0x8f: {  	p0 =	sne.s32 s0, $0x0;
	s0 =	rddreg [dreg:$0x2]  }
0x90: {  	s0 =	sadd.s32 @!p0 $0x100000, s0  }
0x91: {  	[sflag:s0] =	ssyncadd.tile.s32 @!p0 $0x1;
	_ =	shalt  }
.Lfunc_end2:
_tile_overlayer_lowered:
.L_overlay_start_2:
0x92: {  	(tag) =	ssettag $0x2  }
0x93: {  	s0 =	rddreg [dreg:$0x0];
	s2 =	stileid.u32  }
0x94: {  	s1 =	rddreg [dreg:$0x1];
	p0 =	sne.s32 s2, $0x0  }
0x95: {  	s3 =	rddreg [dreg:$0x2];
	[bflag:$0x3] =	sbarrier.arrive $0xFFFF;
	s2 =	simm.s32 @!p0 $0x1C03  }
0x96: {  	[timem:s3], [sflag:s2] =	dma.local @!p0 [hbm:s0], s1  }
0x97: {  	s0 =	simm.s32 @!p0 $0x3  }
0x98: {  	_ =	swait.ge @!p0 [sflag:s0], s1  }
0x99: {  	s1 =	ssub.s32 @!p0 $0x0, s1;
	[sflag:s0] =	ssyncset.done @!p0 $0x0  }
0x9a: {  	[sflag:s0] =	ssyncadd.s32 @!p0 s1  }
0x9b: {  	[bflag:$0x3] =	sbarrier.arrive $0xFFFF  }
0x9c: {  	_ =	shalt  }

// kernel: kernel.17.cloned.1.call-start
scs
__scs_entry_jumppad:
0x0: {  	(pc) =	sbr.rel $0x88, $3  }
0x1: {  	(tag) =	ssettag $0x0;
	lr =	simm.s32 $0x1  }
0x2: {  	[smem:$0x3F95] =	sst lr;
	_ =	strace $0xD0000000  }
0x3: {  	_ = 	snop  }
0x4: {  	_ = 	snop  }
0x5: {  	_ = 	snop  }
0x6: {  	_ = 	snop  }
0x7: {  	_ = 	snop  }
__scs_overlays_trampoline_lowered:
0x8: {  	[smem:$0x3FA4] =	sst s0  }
0x9: {  	[smem:$0x3FA5] =	sst s1  }
0xa: {  	[smem:$0x3FA6] =	sst s2  }
0xb: {  	[smem:$0x3FA7] =	sst s3  }
0xc: {  	[smem:$0x3FA8] =	sst s4  }
0xd: {  	[smem:$0x3FA9] =	sst s5  }
0xe: {  	[smem:$0x3FAA] =	sst s6  }
0xf: {  	[smem:$0x3FAB] =	sst s7  }
0x10: {  	[smem:$0x3FAC] =	sst s8  }
0x11: {  	[smem:$0x3FAD] =	sst s9;
	s0 =	simm.s32 @!p0 $0x0  }
0x12: {  	s1 =	sld [smem:$0x3F93];
	s0 =	simm.s32 @p0 $0x1  }
0x13: {  	[smem:$0x3FAE] =	sst s0;
	s0 =	simm.s32 @!p1 $0x0  }
0x14: {  	s2 =	sld [smem:$0x3F92];
	s0 =	simm.s32 @p1 $0x1  }
0x15: {  	[smem:$0x3FAF] =	sst s0;
	s0 =	simm.s32 @!p2 $0x0  }
0x16: {  	s3 =	sld [smem:$0x3FDB];
	s0 =	simm.s32 @p2 $0x1  }
0x17: {  	s4 =	simm.s32 $0x1BF5;
	[smem:$0x3FB1] =	sst s0  }
0x18: {  	s0 =	sld [smem:$0x3F94];
	_ =	swait.ge [sflag:s4], $0x0  }
0x19: {  	s7 =	sld [smem:$0x3F95]  }
0x1a: {  	s8 =	sadd.s32 $0xFFFFE003, lr  }
0x1b: {  	s9 =	sadd.s32 $0xFFFFFEF7, lr;
	s5 =	simm.s32 $0xFFFFFFFF;
	p2 =	slt.u32 s8, $0xFFFFF086  }
0x1c: {  	p1 =	slt.u32 s9, $0xF7A;
	s5 =	simm.s32 @!p2 $0x0  }
0x1d: {  	s5 =	simm.s32 @p1 $0x1;
	p0 =	seq.s32 s7, s2  }
0x1e: {  	s7 =	smul.u32 @!p0 $0xF7A, s2;
	p2 =	seq.s32 @!p0 s5, $0x0  }
0x1f: {  	s9 =	smul.u32 $0xF7A, s1;
	s8 =	simm.s32 @!p0 $0x1BF5;
	p2 =	por !p2, p0  }
0x20: {  	[sflag:s8] =	ssyncset.s32 @!p0 $0xFFFFF086;
	s6 =	sadd.s32 @!p0 s3, s7;
	s7 =	simm.s32 @!p0 $0x108  }
0x21: {  	s3 =	sadd.s32 s3, s9;
	s6 =	sadd.s32 @!p0 $0x88, s6;
	s7 =	simm.s32 @p2 $0x1082  }
0x22: {  	[simem:s7], [sflag:s8] =	dma.local @!p0 [hbm:s6], $0xF7A  }
0x23: {  	s9 =	sor.u32 $0xD0000000, s2;
	s6 =	simm.s32 $0x108;
	_ =	swait.ge @!p0 [sflag:s8], $0x0  }
0x24: {  	s3 =	sadd.s32 $0x88, s3;
	s6 =	simm.s32 @!p1 $0x1082;
	[sflag:s4] =	ssyncset.s32 $0xFFFFF086  }
0x25: {  	[simem:s6], [sflag:s4] =	dma.local [hbm:s3], $0xF7A  }
0x26: {  	[smem:$0x3F95] =	sst s1;
	(tag) =	ssettag s2;
	_ =	strace s9  }
0x27: {  	s1 =	sld [smem:$0x3FA5]  }
0x28: {  	s2 =	sld [smem:$0x3FA6]  }
0x29: {  	s4 =	sld [smem:$0x3FA8]  }
0x2a: {  	p0 =	seq.s32 s5, $0x0;
	s5 =	sld [smem:$0x3FA9]  }
0x2b: {  	s6 =	sld [smem:$0x3FAA]  }
0x2c: {  	s7 =	sld [smem:$0x3FAB]  }
0x2d: {  	s3 =	simm.s32 $0x108;
	s8 =	sld [smem:$0x3FAC]  }
0x2e: {  	s3 =	simm.s32 @!p0 $0x1082;
	s9 =	sld [smem:$0x3FAD]  }
0x2f: {  	lr =	sadd.s32 s0, s3;
	s0 =	sld [smem:$0x3FA4]  }
0x30: {  	s3 =	sld [smem:$0x3FA7]  }
0x31: {  	[smem:$0x3FB0] =	sst s10  }
0x32: {  	s10 =	sld [smem:$0x3FAE];
	_ =	sdelay $0x3  }
0x33: {  	p0 =	seq.s32 s10, $0x1;
	s10 =	sld [smem:$0x3FB0];
	_ =	sdelay $0x3  }
0x34: {  	[smem:$0x3FB0] =	sst s10  }
0x35: {  	s10 =	sld [smem:$0x3FAF];
	_ =	sdelay $0x3  }
0x36: {  	p1 =	seq.s32 s10, $0x1;
	s10 =	sld [smem:$0x3FB0];
	_ =	sdelay $0x3  }
0x37: {  	[smem:$0x3FB0] =	sst s10  }
0x38: {  	s10 =	sld [smem:$0x3FB1]  }
0x39: {  	_ = 	snop;
	(pc) =	sbr.ind lr, $3  }
0x3a: {  	_ = 	snop  }
0x3b: {  	_ = 	snop  }
0x3c: {  	p2 =	seq.s32 s10, $0x1;
	s10 =	sld [smem:$0x3FB0]  }
0x3d: {  	_ =	shalt  }
0x3e: {  	_ =	shalt  }
0x3f: {  	_ =	shalt  }
0x40: {  	_ =	shalt  }
0x41: {  	_ =	shalt  }
0x42: {  	_ =	shalt  }
0x43: {  	_ =	shalt  }
0x44: {  	_ =	shalt  }
0x45: {  	_ =	shalt  }
0x46: {  	_ =	shalt  }
0x47: {  	_ =	shalt  }
0x48: {  	_ =	shalt  }
0x49: {  	_ =	shalt  }
0x4a: {  	_ =	shalt  }
0x4b: {  	_ =	shalt  }
0x4c: {  	_ =	shalt  }
0x4d: {  	_ =	shalt  }
0x4e: {  	_ =	shalt  }
0x4f: {  	_ =	shalt  }
0x50: {  	_ =	shalt  }
0x51: {  	_ =	shalt  }
0x52: {  	_ =	shalt  }
0x53: {  	_ =	shalt  }
0x54: {  	_ =	shalt  }
0x55: {  	_ =	shalt  }
0x56: {  	_ =	shalt  }
0x57: {  	_ =	shalt  }
0x58: {  	_ =	shalt  }
0x59: {  	_ =	shalt  }
0x5a: {  	_ =	shalt  }
0x5b: {  	_ =	shalt  }
0x5c: {  	_ =	shalt  }
0x5d: {  	_ =	shalt  }
0x5e: {  	_ =	shalt  }
0x5f: {  	_ =	shalt  }
0x60: {  	_ =	shalt  }
0x61: {  	_ =	shalt  }
0x62: {  	_ =	shalt  }
0x63: {  	_ =	shalt  }
0x64: {  	_ =	shalt  }
0x65: {  	_ =	shalt  }
0x66: {  	_ =	shalt  }
0x67: {  	_ =	shalt  }
0x68: {  	_ =	shalt  }
0x69: {  	_ =	shalt  }
0x6a: {  	_ =	shalt  }
0x6b: {  	_ =	shalt  }
0x6c: {  	_ =	shalt  }
0x6d: {  	_ =	shalt  }
0x6e: {  	_ =	shalt  }
0x6f: {  	_ =	shalt  }
0x70: {  	_ =	shalt  }
0x71: {  	_ =	shalt  }
0x72: {  	_ =	shalt  }
0x73: {  	_ =	shalt  }
0x74: {  	_ =	shalt  }
0x75: {  	_ =	shalt  }
0x76: {  	_ =	shalt  }
0x77: {  	_ =	shalt  }
0x78: {  	_ =	shalt  }
0x79: {  	_ =	shalt  }
0x7a: {  	_ =	shalt  }
0x7b: {  	_ =	shalt  }
0x7c: {  	_ =	shalt  }
0x7d: {  	_ =	shalt  }
0x7e: {  	_ =	shalt  }
0x7f: {  	_ =	shalt  }
0x80: {  	_ =	shalt  }
0x81: {  	_ =	shalt  }
0x82: {  	_ =	shalt  }
0x83: {  	_ =	shalt  }
0x84: {  	_ =	shalt  }
0x85: {  	_ =	shalt  }
0x86: {  	_ =	shalt  }
0x87: {  	_ =	shalt  }
.Lfunc_end0:
.L_simem_size_0:
called_computation.3_lowered:
.L_overlay_start_0:
0x88: {  	s2 =	sld [smem:$0x3FD9]  }
0x89: {  	s3 =	sld [smem:$0x3FFE];
	_ =	sdelay $0x1  }
0x8a: {  	s1 =	srdreg.scid  }
0x8b: {  	s0 =	sand.u32 $0x1, s1  }
0x8c: {  	s17 =	sshll.u32 s0, $0xA;
	s2 =	sadd.s32 s3, s2  }
0x8d: {  	s2 =	sadd.s32 s2, s17  }
0x8e: {  	[smem:$0x3FBC] =	sst s2  }
0x8f: {  	_ = 	snop  }
0x90: {  	s2 =	sld [smem:$0x3FD0];
	(tm) =	ssettm $0x1  }
0x91: {  	s18 =	sld [smem:$0x3FFB];
	_ =	sdelay $0x3  }
0x92: {  	_ =	strace s18  }
0x93: {  	s3 =	sld [smem:$0x3FFC];
	_ =	sdelay $0x3  }
0x94: {  	_ =	strace s3  }
0x95: {  	s3 =	sld [smem:$0x3FFD];
	_ =	sdelay $0x3  }
0x96: {  	_ =	strace s3  }
0x97: {  	_ =	strace $0x8FFFFFFF  }
0x98: {  	s19 =	sld [smem:$0x3FDB];
	_ =	sdelay $0x1  }
0x99: {  	s4 =	simm.s32 $_scs_section_size  }
0x9a: {  	s5 =	simm.s32 $_size__tile_overlayer_lowered;
	s6 =	simm.s32 $_tile_overlayer_lowered  }
0x9b: {  	s22 =	simm.s32 $0x1BFF;
	s21 =	sshll.u32 s6, $0x1;
	s3 =	sadd.s32 s4, s19  }
0x9c: {  	s7 =	simm.s32 $0x0;
	s20 =	sshll.u32 s5, $0x1;
	s5 =	sadd.s32 s21, s3  }
0x9d: {  	[timem:s7], [sflag:s22] =	dma.local [hbm:s5], s20  }
0x9e: {  	_ =	swait.ge [sflag:s22], s20  }
0x9f: {  	s4 =	ssub.s32 $0x0, s20;
	[sflag:s22] =	ssyncset.done $0x0  }
0xa0: {  	[sflag:s22] =	ssyncadd.s32 s4;
	_ =	sdelay $0x1  }
0xa1: {  	s23 =	simm.s32 $0x1B8B  }
0xa2: {  	_ =	swait.ge [sflag:s23], $0x1  }
0xa3: {  	[sflag:s23] =	ssyncset.done $0x0  }
0xa4: {  	s25 =	simm.s32 $0x1B8E;
	s24 =	sld [smem:$0x3FFE];
	[sflag:s23] =	ssyncadd.s32 $0xFFFFFFFF  }
0xa5: {  	s26 =	simm.s32 $execute0_lowered;
	[smem:$0x3FD2] =	sst s25  }
0xa6: {  	s5 =	sshll.u32 s26, $0x1;
	_ =	strace $0x8000004F;
	[dreg:$0x1] =	wrdreg $0xFFFFFFFF  }
0xa7: {  	s28 =	simm.s32 $_size_execute0_lowered;
	s3 =	sadd.s32 s3, s5;
	[dreg:$0x0] =	wrdreg $0x0  }
0xa8: {  	s5 =	sshll.u32 s28, $0x1;
	[dreg:$0x2] =	wrdreg s3  }
0xa9: {  	[dreg:$0x3] =	wrdreg s5  }
0xaa: {  	[dreg:$0x4] =	wrdreg $0xC0  }
0xab: {  	_ =	task [dreg:s7], $0x5FFFF  }
0xac: {  	[dreg:$0x1] =	wrdreg $0xFFFFFFFF  }
0xad: {  	[dreg:$0x0] =	wrdreg $0x60  }
0xae: {  	[dreg:$0x2] =	wrdreg s2  }
0xaf: {  	[dreg:$0x3] =	wrdreg s24  }
0xb0: {  	[dreg:$0x4] =	wrdreg $0x9  }
0xb1: {  	_ =	task.clear_ibuf [dreg:s7], $0x5FFFF;
	_ =	strace $0x9000004F  }
0xb2: {  	s29 =	simm.s32 $0x9;
	_ =	strace $0x80000051  }
0xb3: {  	_ =	swait.ge [sflag:s29], $0x1  }
0xb4: {  	[sflag:s29] =	ssyncadd.s32 $0xFFFFFFFF  }
0xb5: {  	_ =	strace $0x90000051  }
0xb6: {  	_ =	sfence  }
0xb7: {  	s30 =	sld [smem:$0x0];
	_ =	sdelay $0x2  }
0xb8: {  	s31 =	sshll.u32 s1, $0xD;
	s1 =	sshrl.u32 s1, $0x2  }
0xb9: {  	s3 =	sand.u32 $0x4000, s31;
	s1 =	sadd.s32 s1, s30  }
0xba: {  	s0 =	sor.u32 s3, s0;
	s1 =	sshll.u32 s1, $0x11  }
0xbb: {  	s0 =	sor.u32 s1, s0  }
0xbc: {  	s0 =	sadd.s32 $0x8F2B, s0  }
0xbd: {  	[sflag:s0] =	ssyncadd.remote.s32 $0x1  }
0xbe: {  	_ =	sfence.sel $0xFFFF  }
0xbf: {  	[dreg:$0x0] =	wrdreg $0xFFFFFFFF;
	(pc) =	sbr.abs _section_cstart, $3  }
0xc0: {  	[dreg:$0x1] =	wrdreg $0xFFFFFFFF  }
0xc1: {  	_ =	task.clear_ibuf [dreg:s7], $0x2FFFF;
	_ =	strace $0x9FFFFFFF  }
0xc2: {  	(tm) =	ssettm $0x7FFFFFFF  }
0xc3: {  	_ =	shalt  }
tec
execute0_lowered:
.L_overlay_start_1:
0x0: {  	(tag) =	ssettag $0x1  }
0x1: {  	s2 =	rddreg [dreg:$0x0];
	s1 =	srdreg.scid  }
0x2: {  	s0 =	stileid.u32;
	s4 =	rddreg [dreg:$0x1]  }
0x3: {  	s8 =	simm.s32 $0x1;
	s9 =	simm.s32 $0x4F00;
	s10 =	simm.s32 $0x7700  }
0x4: {  	s11 =	simm.s32 $0x9F00;
	s5 =	sand.u32 $0x1, s1;
	s3 =	sshll.u32 s0, $0x1  }
0x5: {  	s1 =	rddreg [dreg:$0x2];
	s6 =	sor.u32 s5, s3;
	s5 =	ssub.s32 $0x2, s5  }
0x6: {  	s3 =	simm.s32 $0x0;
	s6 =	smul.u32 $0x500, s6;
	s7 =	sshrl.u32 s5, $0x1  }
0x7: {  	s12 =	simm.s32 $0x0;
	[smem:$0x7FF] =	sst s3;
	s7 =	ssub.s32 s5, s7  }
0x8: {  	_ =	strace $0x80000050;
	s6 =	sadd.s32 s6, s4;
	s7 =	smax.u32 s7, $0x1  }
0x9: {  	s4 =	sadd.s32 $0x3600, s6;
	s5 =	sadd.s32 $0xD600, s6;
	s6 =	sadd.s32 $0x17600, s6  }
.LBB2_1:
0xa: {  	[tilespmem:s3], [sflag:$0x1] =	stream.linear.gather [hbm4b:s2+s3], $0x4F00, $0x38;
	[tilespmem:$0xC700] =	vst v63  }
0xb: {  	_ =	swait.ge [sflag:s8], $0x4F00  }
0xc: {  	[sflag:s8] =	ssyncset.done $0x0  }
0xd: {  	[sflag:s8] =	ssyncadd.s32 $0xFFFFB100  }
0xe: {  	[tilespmem:s9], [sflag:$0x1] =	stream.linear.gather [hbm4b:s4+s3], $0x2800, $0x38;
	[tilespmem:$0xC700] =	vst v63  }
0xf: {  	_ =	swait.ge [sflag:s8], $0x2800  }
0x10: {  	[sflag:s8] =	ssyncset.done $0x0  }
0x11: {  	[sflag:s8] =	ssyncadd.s32 $0xFFFFD800  }
0x12: {  	[tilespmem:s10], [sflag:$0x1] =	stream.linear.gather [hbm4b:s5+s3], $0x2800, $0x38;
	[tilespmem:$0xC700] =	vst v63  }
0x13: {  	_ =	swait.ge [sflag:s8], $0x2800  }
0x14: {  	[sflag:s8] =	ssyncset.done $0x0  }
0x15: {  	s14 =	simm.s32 $0x0;
	[sflag:s8] =	ssyncadd.s32 $0xFFFFD800  }
0x16: {  	v0 =	vld [tilespmem:s14+$0x7700];
	_ =	sdelay $0x1  }
0x17: {  	v2 =	vld [tilespmem:s14+$0x4F00];
	_ =	sdelay $0x2  }
0x18: {  	v1 =	vshll.u32 v0, $0x1  }
0x19: {  	v1 =	vor.u32 $0x1, v1  }
0x1a: {  	v2 =	vshll.u32 v2, $0x1  }
0x1b: {  	s13 =	simm.s32 $0x10  }
0x1c: {  	v3 =	vld [tilespmem:s13+$0x7700]  }
0x1d: {  	s15 =	simm.s32 $0x80;
	v0 =	vld [tilespmem:s13+$0x4F00]  }
.LBB2_2:
0x1e: {  	p0 =	sne.s32 s15, $0x9FC0;
	v4 =	vld.idx.msk [tilespmem:v1+s3+$0x0], $0xffff  }
0x1f: {  	v5 =	vld.idx.msk [tilespmem:v2+s3+$0x0], $0xffff;
	_ =	sdelay $0x2  }
0x20: {  	v1 =	vshll.u32 v3, $0x1  }
.Ltmp0:
0x21: {  	v1 =	vor.u32 $0x1, v1;
	(pc) =	sbr.rel @p0 .LBB2_2-.Ltmp0, $4  }
0x22: {  	v2 =	vshll.u32 v0, $0x1  }
0x23: {  	s16 =	sshra.s32 s15, $0x2;
	v4 =	vadd.f32 v4, v5  }
0x24: {  	v0 =	vld [tilespmem:s16+$0x4F00]  }
0x25: {  	s15 =	sadd.s32 $0x40, s15;
	v3 =	vld [tilespmem:s16+$0x7700];
	[tilespmem:s14+$0x9F00] =	vst v4;
	s14 =	smov.u32 s13;
	s13 =	smov.u32 s16  }
0x26: {  	_ =	sdelay $0x3  }
0x27: {  	v1 =	vld.idx.msk [tilespmem:v1+s3+$0x0], $0xffff  }
0x28: {  	v2 =	vld.idx.msk [tilespmem:v2+s3+$0x0], $0xffff;
	_ =	sdelay $0x2  }
0x29: {  	v0 =	vshll.u32 v0, $0x1;
	v3 =	vshll.u32 v3, $0x1  }
0x2a: {  	v3 =	vor.u32 $0x1, v3  }
0x2b: {  	v1 =	vadd.f32 v1, v2;
	_ =	sdelay $0x1  }
0x2c: {  	[tilespmem:s14+$0x9F00] =	vst v1  }
0x2d: {  	v0 =	vld.idx.msk [tilespmem:v0+s3+$0x0], $0xffff  }
0x2e: {  	v1 =	vld.idx.msk [tilespmem:v3+s3+$0x0], $0xffff;
	_ =	sdelay $0x4  }
0x2f: {  	s12 =	sadd.s32 $0x1, s12;
	v0 =	vadd.f32 v1, v0  }
0x30: {  	p0 =	sne.s32 s12, s7  }
.Ltmp1:
0x31: {  	[tilespmem:s13+$0x9F00] =	vst v0;
	(pc) =	sbr.rel @p0 .LBB2_1-.Ltmp1, $4  }
0x32: {  	[hbm4b:s6+s3] =	stream.linear.scatter [tilespmem:s11], [sflag:$0x1], $0x2800, $0x38;
	[tilespmem:$0xC700] =	vst v63  }
0x33: {  	_ =	swait.ge [sflag:s8], $0x2800  }
0x34: {  	[sflag:s8] =	ssyncset.done $0x0  }
0x35: {  	[sflag:s8] =	ssyncadd.s32 $0xFFFFD800  }
0x36: {  	_ =	sfence.sel $0x180000  }
0x37: {  	[bflag:$0x0] =	sbarrier.arrive $0xFFFF  }
0x38: {  	p0 =	sne.s32 s0, $0x0;
	_ =	strace $0x90000050  }
0x39: {  	s0 =	sadd.s32 @!p0 $0x100000, s1;
	[bflag:$0x2] =	sbarrier.arrive $0xFFFF  }
0x3a: {  	[sflag:s0] =	ssyncadd.tile.s32 @!p0 $0x1;
	_ =	shalt  }
.Lfunc_end2:
_tile_overlayer_lowered:
.L_overlay_start_2:
0x3b: {  	(tag) =	ssettag $0x2  }
0x3c: {  	s0 =	rddreg [dreg:$0x0];
	s2 =	stileid.u32  }
0x3d: {  	s1 =	rddreg [dreg:$0x1];
	p0 =	sne.s32 s2, $0x0  }
0x3e: {  	s3 =	rddreg [dreg:$0x2];
	[bflag:$0x3] =	sbarrier.arrive $0xFFFF;
	s2 =	simm.s32 @!p0 $0x1C01  }
0x3f: {  	[timem:s3], [sflag:s2] =	dma.local @!p0 [hbm:s0], s1  }
0x40: {  	s0 =	simm.s32 @!p0 $0x1  }
0x41: {  	_ =	swait.ge @!p0 [sflag:s0], s1  }
0x42: {  	s1 =	ssub.s32 @!p0 $0x0, s1;
	[sflag:s0] =	ssyncset.done @!p0 $0x0  }
0x43: {  	[sflag:s0] =	ssyncadd.s32 @!p0 s1  }
0x44: {  	[bflag:$0x3] =	sbarrier.arrive $0xFFFF  }
0x45: {  	_ =	shalt  }

// kernel: kernel.8.cloned.1.call-start
scs
__scs_entry_jumppad:
0x0: {  	(pc) =	sbr.rel $0x88, $3  }
0x1: {  	(tag) =	ssettag $0x0;
	lr =	simm.s32 $0x1  }
0x2: {  	[smem:$0x3F95] =	sst lr;
	_ =	strace $0xD0000000  }
0x3: {  	_ = 	snop  }
0x4: {  	_ = 	snop  }
0x5: {  	_ = 	snop  }
0x6: {  	_ = 	snop  }
0x7: {  	_ = 	snop  }
__scs_overlays_trampoline_lowered:
0x8: {  	[smem:$0x3FA4] =	sst s0  }
0x9: {  	[smem:$0x3FA5] =	sst s1  }
0xa: {  	[smem:$0x3FA6] =	sst s2  }
0xb: {  	[smem:$0x3FA7] =	sst s3  }
0xc: {  	[smem:$0x3FA8] =	sst s4  }
0xd: {  	[smem:$0x3FA9] =	sst s5  }
0xe: {  	[smem:$0x3FAA] =	sst s6  }
0xf: {  	[smem:$0x3FAB] =	sst s7  }
0x10: {  	[smem:$0x3FAC] =	sst s8  }
0x11: {  	[smem:$0x3FAD] =	sst s9;
	s0 =	simm.s32 @!p0 $0x0  }
0x12: {  	s1 =	sld [smem:$0x3F93];
	s0 =	simm.s32 @p0 $0x1  }
0x13: {  	[smem:$0x3FAE] =	sst s0;
	s0 =	simm.s32 @!p1 $0x0  }
0x14: {  	s2 =	sld [smem:$0x3F92];
	s0 =	simm.s32 @p1 $0x1  }
0x15: {  	[smem:$0x3FAF] =	sst s0;
	s0 =	simm.s32 @!p2 $0x0  }
0x16: {  	s3 =	sld [smem:$0x3FDB];
	s0 =	simm.s32 @p2 $0x1  }
0x17: {  	s4 =	simm.s32 $0x1BF5;
	[smem:$0x3FB1] =	sst s0  }
0x18: {  	s0 =	sld [smem:$0x3F94];
	_ =	swait.ge [sflag:s4], $0x0  }
0x19: {  	s7 =	sld [smem:$0x3F95]  }
0x1a: {  	s8 =	sadd.s32 $0xFFFFE003, lr  }
0x1b: {  	s9 =	sadd.s32 $0xFFFFFEF7, lr;
	s5 =	simm.s32 $0xFFFFFFFF;
	p2 =	slt.u32 s8, $0xFFFFF086  }
0x1c: {  	p1 =	slt.u32 s9, $0xF7A;
	s5 =	simm.s32 @!p2 $0x0  }
0x1d: {  	s5 =	simm.s32 @p1 $0x1;
	p0 =	seq.s32 s7, s2  }
0x1e: {  	s7 =	smul.u32 @!p0 $0xF7A, s2;
	p2 =	seq.s32 @!p0 s5, $0x0  }
0x1f: {  	s9 =	smul.u32 $0xF7A, s1;
	s8 =	simm.s32 @!p0 $0x1BF5;
	p2 =	por !p2, p0  }
0x20: {  	[sflag:s8] =	ssyncset.s32 @!p0 $0xFFFFF086;
	s6 =	sadd.s32 @!p0 s3, s7;
	s7 =	simm.s32 @!p0 $0x108  }
0x21: {  	s3 =	sadd.s32 s3, s9;
	s6 =	sadd.s32 @!p0 $0x88, s6;
	s7 =	simm.s32 @p2 $0x1082  }
0x22: {  	[simem:s7], [sflag:s8] =	dma.local @!p0 [hbm:s6], $0xF7A  }
0x23: {  	s9 =	sor.u32 $0xD0000000, s2;
	s6 =	simm.s32 $0x108;
	_ =	swait.ge @!p0 [sflag:s8], $0x0  }
0x24: {  	s3 =	sadd.s32 $0x88, s3;
	s6 =	simm.s32 @!p1 $0x1082;
	[sflag:s4] =	ssyncset.s32 $0xFFFFF086  }
0x25: {  	[simem:s6], [sflag:s4] =	dma.local [hbm:s3], $0xF7A  }
0x26: {  	[smem:$0x3F95] =	sst s1;
	(tag) =	ssettag s2;
	_ =	strace s9  }
0x27: {  	s1 =	sld [smem:$0x3FA5]  }
0x28: {  	s2 =	sld [smem:$0x3FA6]  }
0x29: {  	s4 =	sld [smem:$0x3FA8]  }
0x2a: {  	p0 =	seq.s32 s5, $0x0;
	s5 =	sld [smem:$0x3FA9]  }
0x2b: {  	s6 =	sld [smem:$0x3FAA]  }
0x2c: {  	s7 =	sld [smem:$0x3FAB]  }
0x2d: {  	s3 =	simm.s32 $0x108;
	s8 =	sld [smem:$0x3FAC]  }
0x2e: {  	s3 =	simm.s32 @!p0 $0x1082;
	s9 =	sld [smem:$0x3FAD]  }
0x2f: {  	lr =	sadd.s32 s0, s3;
	s0 =	sld [smem:$0x3FA4]  }
0x30: {  	s3 =	sld [smem:$0x3FA7]  }
0x31: {  	[smem:$0x3FB0] =	sst s10  }
0x32: {  	s10 =	sld [smem:$0x3FAE];
	_ =	sdelay $0x3  }
0x33: {  	p0 =	seq.s32 s10, $0x1;
	s10 =	sld [smem:$0x3FB0];
	_ =	sdelay $0x3  }
0x34: {  	[smem:$0x3FB0] =	sst s10  }
0x35: {  	s10 =	sld [smem:$0x3FAF];
	_ =	sdelay $0x3  }
0x36: {  	p1 =	seq.s32 s10, $0x1;
	s10 =	sld [smem:$0x3FB0];
	_ =	sdelay $0x3  }
0x37: {  	[smem:$0x3FB0] =	sst s10  }
0x38: {  	s10 =	sld [smem:$0x3FB1]  }
0x39: {  	_ = 	snop;
	(pc) =	sbr.ind lr, $3  }
0x3a: {  	_ = 	snop  }
0x3b: {  	_ = 	snop  }
0x3c: {  	p2 =	seq.s32 s10, $0x1;
	s10 =	sld [smem:$0x3FB0]  }
0x3d: {  	_ =	shalt  }
0x3e: {  	_ =	shalt  }
0x3f: {  	_ =	shalt  }
0x40: {  	_ =	shalt  }
0x41: {  	_ =	shalt  }
0x42: {  	_ =	shalt  }
0x43: {  	_ =	shalt  }
0x44: {  	_ =	shalt  }
0x45: {  	_ =	shalt  }
0x46: {  	_ =	shalt  }
0x47: {  	_ =	shalt  }
0x48: {  	_ =	shalt  }
0x49: {  	_ =	shalt  }
0x4a: {  	_ =	shalt  }
0x4b: {  	_ =	shalt  }
0x4c: {  	_ =	shalt  }
0x4d: {  	_ =	shalt  }
0x4e: {  	_ =	shalt  }
0x4f: {  	_ =	shalt  }
0x50: {  	_ =	shalt  }
0x51: {  	_ =	shalt  }
0x52: {  	_ =	shalt  }
0x53: {  	_ =	shalt  }
0x54: {  	_ =	shalt  }
0x55: {  	_ =	shalt  }
0x56: {  	_ =	shalt  }
0x57: {  	_ =	shalt  }
0x58: {  	_ =	shalt  }
0x59: {  	_ =	shalt  }
0x5a: {  	_ =	shalt  }
0x5b: {  	_ =	shalt  }
0x5c: {  	_ =	shalt  }
0x5d: {  	_ =	shalt  }
0x5e: {  	_ =	shalt  }
0x5f: {  	_ =	shalt  }
0x60: {  	_ =	shalt  }
0x61: {  	_ =	shalt  }
0x62: {  	_ =	shalt  }
0x63: {  	_ =	shalt  }
0x64: {  	_ =	shalt  }
0x65: {  	_ =	shalt  }
0x66: {  	_ =	shalt  }
0x67: {  	_ =	shalt  }
0x68: {  	_ =	shalt  }
0x69: {  	_ =	shalt  }
0x6a: {  	_ =	shalt  }
0x6b: {  	_ =	shalt  }
0x6c: {  	_ =	shalt  }
0x6d: {  	_ =	shalt  }
0x6e: {  	_ =	shalt  }
0x6f: {  	_ =	shalt  }
0x70: {  	_ =	shalt  }
0x71: {  	_ =	shalt  }
0x72: {  	_ =	shalt  }
0x73: {  	_ =	shalt  }
0x74: {  	_ =	shalt  }
0x75: {  	_ =	shalt  }
0x76: {  	_ =	shalt  }
0x77: {  	_ =	shalt  }
0x78: {  	_ =	shalt  }
0x79: {  	_ =	shalt  }
0x7a: {  	_ =	shalt  }
0x7b: {  	_ =	shalt  }
0x7c: {  	_ =	shalt  }
0x7d: {  	_ =	shalt  }
0x7e: {  	_ =	shalt  }
0x7f: {  	_ =	shalt  }
0x80: {  	_ =	shalt  }
0x81: {  	_ =	shalt  }
0x82: {  	_ =	shalt  }
0x83: {  	_ =	shalt  }
0x84: {  	_ =	shalt  }
0x85: {  	_ =	shalt  }
0x86: {  	_ =	shalt  }
0x87: {  	_ =	shalt  }
.Lfunc_end0:
.L_simem_size_0:
called_computation_lowered:
.L_overlay_start_0:
0x88: {  	s2 =	sld [smem:$0x3FD9]  }
0x89: {  	s3 =	sld [smem:$0x3FFE];
	_ =	sdelay $0x1  }
0x8a: {  	s1 =	srdreg.scid  }
0x8b: {  	s0 =	sand.u32 $0x1, s1  }
0x8c: {  	s17 =	sshll.u32 s0, $0xA;
	s2 =	sadd.s32 s3, s2  }
0x8d: {  	s2 =	sadd.s32 s2, s17  }
0x8e: {  	[smem:$0x3FBC] =	sst s2  }
0x8f: {  	_ = 	snop  }
0x90: {  	s18 =	sld [smem:$0x3FD0];
	(tm) =	ssettm $0x1  }
0x91: {  	s19 =	sld [smem:$0x3FFB];
	_ =	sdelay $0x3  }
0x92: {  	_ =	strace s19  }
0x93: {  	s2 =	sld [smem:$0x3FFC];
	_ =	sdelay $0x3  }
0x94: {  	_ =	strace s2  }
0x95: {  	s2 =	sld [smem:$0x3FFD];
	_ =	sdelay $0x3  }
0x96: {  	_ =	strace s2  }
0x97: {  	_ =	strace $0x8FFFFFFF  }
0x98: {  	s20 =	sld [smem:$0x3FDB];
	_ =	sdelay $0x1  }
0x99: {  	s4 =	simm.s32 $_scs_section_size  }
0x9a: {  	s5 =	simm.s32 $_size__tile_overlayer_lowered;
	s6 =	simm.s32 $_tile_overlayer_lowered  }
0x9b: {  	s7 =	simm.s32 $0x1BFF;
	s21 =	sshll.u32 s6, $0x1;
	s4 =	sadd.s32 s4, s20  }
0x9c: {  	s22 =	simm.s32 $0x0;
	s5 =	sshll.u32 s5, $0x1;
	s6 =	sadd.s32 s21, s4  }
0x9d: {  	[timem:s22], [sflag:s7] =	dma.local [hbm:s6], s5  }
0x9e: {  	_ =	swait.ge [sflag:s7], s5  }
0x9f: {  	s5 =	ssub.s32 $0x0, s5;
	[sflag:s7] =	ssyncset.done $0x0  }
0xa0: {  	[sflag:s7] =	ssyncadd.s32 s5;
	_ =	sdelay $0x1  }
0xa1: {  	s23 =	simm.s32 $0x1B8B  }
0xa2: {  	_ =	swait.ge [sflag:s23], $0x1  }
0xa3: {  	[sflag:s23] =	ssyncset.done $0x0  }
0xa4: {  	[sflag:s23] =	ssyncadd.s32 $0xFFFFFFFF  }
0xa5: {  	s5 =	sld [smem:$0x0]  }
0xa6: {  	s6 =	sand.u32 $0xFFFFFFFE, s1  }
0xa7: {  	p0 =	sne.s32 s1, s6  }
0xa8: {  	s6 =	sshll.u32 @p0 s6, $0xE  }
0xa9: {  	s6 =	sadd.s32 @p0 $0x11B8D, s6;
	s7 =	sshll.u32 @p0 s5, $0x11  }
0xaa: {  	s6 =	sor.u32 @p0 s7, s6  }
0xab: {  	[sflag:s6] =	ssyncadd.remote.s32 @p0 $0x1;
	_ =	sdelay $0x1  }
0xac: {  	s6 =	simm.s32 @p0 $0x1B8D  }
0xad: {  	_ =	swait.eq @p0 [sflag:s6], $0x1  }
0xae: {  	[sflag:s6] =	ssyncadd.s32 @p0 $0xFFFFFFFF  }
0xaf: {  	s7 =	sshll.u32 @!p0 s1, $0xE  }
0xb0: {  	s7 =	sor.u32 @!p0 $0x4000, s7;
	s6 =	simm.s32 @!p0 $0x1B8D  }
0xb1: {  	s5 =	sshll.u32 @!p0 s5, $0x11;
	s7 =	sadd.s32 @!p0 $0x11B8D, s7;
	_ =	swait.eq @!p0 [sflag:s6], $0x1  }
0xb2: {  	s5 =	sor.u32 @!p0 s5, s7;
	[sflag:s6] =	ssyncadd.s32 @!p0 $0xFFFFFFFF  }
0xb3: {  	s25 =	simm.s32 $0x1B8E;
	s24 =	sld [smem:$0x3FFE];
	[sflag:s5] =	ssyncadd.remote.s32 @!p0 $0x1  }
0xb4: {  	s26 =	simm.s32 $execute0_lowered;
	[smem:$0x3FD2] =	sst s25  }
0xb5: {  	s6 =	sshll.u32 s26, $0x1;
	_ =	strace $0x80000049;
	[dreg:$0x1] =	wrdreg $0xFFFFFFFF  }
0xb6: {  	s28 =	simm.s32 $_size_execute0_lowered;
	s4 =	sadd.s32 s4, s6;
	[dreg:$0x0] =	wrdreg $0x0  }
0xb7: {  	s6 =	sshll.u32 s28, $0x1;
	[dreg:$0x2] =	wrdreg s4  }
0xb8: {  	[dreg:$0x3] =	wrdreg s6  }
0xb9: {  	[dreg:$0x4] =	wrdreg $0xC0  }
0xba: {  	_ =	task [dreg:s22], $0x5FFFF  }
0xbb: {  	[dreg:$0x1] =	wrdreg $0xFFFFFFFF  }
0xbc: {  	[dreg:$0x0] =	wrdreg $0x60  }
0xbd: {  	[dreg:$0x2] =	wrdreg s24  }
0xbe: {  	[dreg:$0x3] =	wrdreg s18  }
0xbf: {  	[dreg:$0x4] =	wrdreg $0x0  }
0xc0: {  	[dreg:$0x5] =	wrdreg $0x9  }
0xc1: {  	_ =	task.clear_ibuf [dreg:s22], $0x6FFFF;
	_ =	strace $0x90000049  }
0xc2: {  	s29 =	simm.s32 $0x9;
	_ =	strace $0x8000004B  }
0xc3: {  	_ =	swait.ge [sflag:s29], $0x1  }
0xc4: {  	[sflag:s29] =	ssyncadd.s32 $0xFFFFFFFF  }
0xc5: {  	_ =	strace $0x9000004B  }
0xc6: {  	_ =	sfence  }
0xc7: {  	s30 =	sld [smem:$0x0];
	_ =	sdelay $0x2  }
0xc8: {  	s31 =	sshll.u32 s1, $0xD;
	s1 =	sshrl.u32 s1, $0x2  }
0xc9: {  	s4 =	sand.u32 $0x4000, s31;
	s1 =	sadd.s32 s1, s30  }
0xca: {  	s0 =	sor.u32 s4, s0;
	s1 =	sshll.u32 s1, $0x11  }
0xcb: {  	s0 =	sor.u32 s1, s0  }
0xcc: {  	s0 =	sadd.s32 $0x8F2B, s0  }
0xcd: {  	[sflag:s0] =	ssyncadd.remote.s32 $0x1  }
0xce: {  	_ =	sfence.sel $0xFFFF  }
0xcf: {  	[dreg:$0x0] =	wrdreg $0xFFFFFFFF;
	(pc) =	sbr.abs _section_cstart, $3  }
0xd0: {  	[dreg:$0x1] =	wrdreg $0xFFFFFFFF  }
0xd1: {  	_ =	task.clear_ibuf [dreg:s22], $0x2FFFF;
	_ =	strace $0x9FFFFFFF  }
0xd2: {  	(tm) =	ssettm $0x7FFFFFFF  }
0xd3: {  	_ =	shalt  }
tec
execute0_lowered:
.L_overlay_start_1:
0x0: {  	(tag) =	ssettag $0x1  }
0x1: {  	s1 =	srdreg.scid;
	s5 =	rddreg [dreg:$0x0]  }
0x2: {  	s0 =	stileid.u32;
	s2 =	rddreg [dreg:$0x1]  }
0x3: {  	s3 =	rddreg [dreg:$0x2];
	s4 =	simm.s32 $0x0;
	s9 =	smul.u32 $0x13C00, s0  }
0x4: {  	s13 =	simm.s32 $0x14000;
	s14 =	simm.s32 $0x80;
	s10 =	smul.u32 $0x2800, s0  }
0x5: {  	s16 =	simm.s32 $0x0;
	s6 =	sand.u32 $0x1, s1;
	s11 =	smul.u32 $0x50000, s0  }
0x6: {  	s25 =	sshll.u32 s0, $0x1;
	[smem:$0x7FF] =	sst s4;
	s30 =	smul.u32 $0x4F000, s0  }
0x7: {  	s29 =	sshll.u32 s0, $0x6;
	s1 =	sor.u32 s6, s25;
	s8 =	smul.u32 $0x13C000, s6  }
0x8: {  	s6 =	ssub.s32 $0x2, s6;
	s7 =	smul.u32 $0x500, s1;
	s1 =	rddreg [dreg:$0x3]  }
0x9: {  	_ =	strace $0x8000004A;
	s26 =	sshrl.u32 s6, $0x1;
	s10 =	sadd.s32 s10, s5  }
0xa: {  	s28 =	sshrl.u32 s11, $0x2;
	s31 =	sshrl.u32 s30, $0x2;
	s11 =	simm.s32 $0x1  }
0xb: {  	s8 =	sadd.s32 s9, s8;
	s9 =	ssub.s32 s6, s26;
	s12 =	sadd.s32 s28, s3  }
0xc: {  	s6 =	sor.u32 $0x1C01, s29;
	s15 =	sadd.s32 s31, s3;
	s7 =	sadd.s32 s7, s5  }
0xd: {  	s8 =	sshrl.u32 s8, $0x3;
	s9 =	smax.u32 s9, $0x1;
	s15 =	sshrl.u32 s15, $0x3  }
0xe: {  	s8 =	sadd.s32 s8, s5;
	s5 =	sadd.s32 $0x17600, s10;
	s7 =	sadd.s32 $0xD600, s7  }
0xf: {  	s10 =	sshrl.u32 s12, $0x3;
	s12 =	simm.s32 $0x16800;
	s8 =	sadd.s32 $0x8E600, s8  }
.LBB2_1:
0x10: {  	[spmem:s10], [sflag:s6] =	dma.local [hbm:s5], $0x2800  }
0x11: {  	_ =	swait.ge [sflag:s11], $0x2800  }
0x12: {  	[sflag:s11] =	ssyncset.done $0x0  }
0x13: {  	[sflag:s11] =	ssyncadd.s32 $0xFFFFD800  }
0x14: {  	[tilespmem:s12], [sflag:$0x1] =	stream.linear.gather [hbm4b:s2+s4], $0x4000, $0x38;
	[tilespmem:$0x1A800] =	vst v63  }
0x15: {  	_ =	swait.ge [sflag:s11], $0x4000  }
0x16: {  	[sflag:s11] =	ssyncset.done $0x0  }
0x17: {  	[sflag:s11] =	ssyncadd.s32 $0xFFFFC000  }
0x18: {  	[tilespmem:s13], [sflag:$0x1] =	stream.linear.gather [hbm4b:s7+s4], $0x2800, $0x38;
	[tilespmem:$0x1A800] =	vst v63  }
0x19: {  	_ =	swait.ge [sflag:s11], $0x2800  }
0x1a: {  	[sflag:s11] =	ssyncset.done $0x0  }
0x1b: {  	[sflag:s11] =	ssyncadd.s32 $0xFFFFD800  }
0x1c: {  	s17 =	simm.s32 $0x14000;
	[bflag:$0x0] =	sbarrier.arrive $0xFFFF  }
0x1d: {  	[spmem:s3] =	stream.indirect.scatter.add.f32 [tilespmem:s12], [sflag:$0x1], $0x80, s17, s14, $0xb8;
	[tilespmem:$0x1A800] =	vst v63  }
0x1e: {  	s17 =	simm.s32 $0x200;
	_ =	swait.ge [sflag:s11], $0x4000  }
.LBB2_2:
0x1f: {  	s18 =	sshra.s32 s17, $0x2;
	[sflag:s11] =	ssyncset.done $0x0;
	p0 =	sne.s32 s17, $0x9E00  }
.Ltmp0:
0x20: {  	s18 =	sadd.s32 $0x14000, s18;
	[sflag:s11] =	ssyncadd.s32 $0xFFFFC000;
	(pc) =	sbr.rel @p0 .LBB2_2-.Ltmp0, $3  }
0x21: {  	[spmem:s3] =	stream.indirect.scatter.add.f32 [tilespmem:s12], [sflag:$0x1], $0x80, s18, s14, $0xb8;
	[tilespmem:$0x1A800] =	vst v63  }
0x22: {  	s17 =	sadd.s32 $0x200, s17;
	_ =	sdelay $0x1  }
0x23: {  	_ =	swait.ge [sflag:s11], $0x4000  }
0x24: {  	[sflag:s11] =	ssyncset.done $0x0;
	s16 =	sadd.s32 $0x1, s16  }
0x25: {  	[sflag:s11] =	ssyncadd.s32 $0xFFFFC000;
	p0 =	sne.s32 s16, s9  }
.Ltmp1:
0x26: {  	[bflag:$0x0] =	sbarrier.arrive $0xFFFF;
	(pc) =	sbr.rel @p0 .LBB2_1-.Ltmp1, $4  }
0x27: {  	[hbm:s8], [sflag:s6] =	dma.local [spmem:s15], $0x2780  }
0x28: {  	_ =	swait.ge [sflag:s11], $0x2780  }
0x29: {  	[sflag:s11] =	ssyncset.done $0x0  }
0x2a: {  	[sflag:s11] =	ssyncadd.s32 $0xFFFFD880  }
0x2b: {  	_ =	sfence.sel $0x180000  }
0x2c: {  	[bflag:$0x0] =	sbarrier.arrive $0xFFFF  }
0x2d: {  	p0 =	sne.s32 s0, $0x0;
	_ =	strace $0x9000004A  }
0x2e: {  	s0 =	sadd.s32 @!p0 $0x100000, s1;
	[bflag:$0x2] =	sbarrier.arrive $0xFFFF  }
0x2f: {  	[sflag:s0] =	ssyncadd.tile.s32 @!p0 $0x1;
	_ =	shalt  }
.Lfunc_end2:
_tile_overlayer_lowered:
.L_overlay_start_2:
0x30: {  	(tag) =	ssettag $0x2  }
0x31: {  	s0 =	rddreg [dreg:$0x0];
	s2 =	stileid.u32  }
0x32: {  	s1 =	rddreg [dreg:$0x1];
	p0 =	sne.s32 s2, $0x0  }
0x33: {  	s3 =	rddreg [dreg:$0x2];
	[bflag:$0x3] =	sbarrier.arrive $0xFFFF;
	s2 =	simm.s32 @!p0 $0x1C01  }
0x34: {  	[timem:s3], [sflag:s2] =	dma.local @!p0 [hbm:s0], s1  }
0x35: {  	s0 =	simm.s32 @!p0 $0x1  }
0x36: {  	_ =	swait.ge @!p0 [sflag:s0], s1  }
0x37: {  	s1 =	ssub.s32 @!p0 $0x0, s1;
	[sflag:s0] =	ssyncset.done @!p0 $0x0  }
0x38: {  	[sflag:s0] =	ssyncadd.s32 @!p0 s1  }
0x39: {  	[bflag:$0x3] =	sbarrier.arrive $0xFFFF  }
0x3a: {  	_ =	shalt  }

</sc_bundles>
